<compile_context>
chip_gen: v7x
topology: tpu7x:2x2x1
jax: 0.10.2.dev20260603
libtpu: 0.0.44.dev20260713+nightly
codegen_flags: <defaults>
</compile_context>

<pallas_src>
import functools

import jax
import jax.numpy as jnp
from jax import lax
from jax.experimental import pallas as pl
from jax.experimental.pallas import tpu as pltpu
from jax.experimental.pallas import tpu_sc as plsc

N = 10000
E = 320000
D = 128
NC = 2
NS = 16
NW = NC * NS
NPAD = 10240
NPT = NPAD // NS
B = 128
CH = 79
EPW = CH * B
EPAD = NW * EPW

_mesh = plsc.VectorSubcoreMesh(core_axis_name="c", subcore_axis_name="s")


@functools.partial(
    pl.kernel,
    out_type=jax.ShapeDtypeStruct((NC * NPAD,), jnp.float32),
    mesh=_mesh,
    scratch_types=[
        pltpu.VMEM((CH, B), jnp.int32),
        pltpu.VMEM((B,), jnp.float32),
        pltpu.VMEM((NPT,), jnp.float32),
        pltpu.VMEM_SHARED((NPAD,), jnp.float32),
    ],
)
def _deg_sc(dst_hbm, out_hbm, didx, ones_v, zb, deg_sh):
    c = lax.axis_index("c")
    s = lax.axis_index("s")
    w = c * NS + s
    for i in range(NPT // 16):
        zb[pl.ds(i * 16, 16)] = jnp.zeros((16,), jnp.float32)
    for i in range(B // 16):
        ones_v[pl.ds(i * 16, 16)] = jnp.ones((16,), jnp.float32)
    pltpu.sync_copy(zb, deg_sh.at[pl.ds(s * NPT, NPT)])
    pltpu.sync_copy(dst_hbm.at[w], didx)
    plsc.subcore_barrier()

    def chunk(j, carry):
        pltpu.sync_copy(ones_v, deg_sh.at[didx.at[j]], add=True)
        return carry

    lax.fori_loop(0, CH, chunk, 0)
    plsc.subcore_barrier()
    pltpu.sync_copy(deg_sh.at[pl.ds(s * NPT, NPT)],
                    out_hbm.at[pl.ds(c * NPAD + s * NPT, NPT)])


@functools.partial(
    pl.kernel,
    out_type=jax.ShapeDtypeStruct((NC, NPAD, D), jnp.float32),
    mesh=_mesh,
    scratch_types=[
        pltpu.VMEM((CH, B), jnp.int32),
        pltpu.VMEM((CH, B), jnp.int32),
        pltpu.VMEM((B, D), jnp.float32),
        pltpu.SemaphoreType.DMA,
        pltpu.VMEM_SHARED((NPAD, D), jnp.float32),
    ],
)
def _scatter_sc(h_hbm, src_hbm, dst_hbm, out_hbm, sidx, didx, rows, sem, acc):
    c = lax.axis_index("c")
    s = lax.axis_index("s")
    w = c * NS + s
    pltpu.sync_copy(src_hbm.at[w], sidx)
    pltpu.sync_copy(dst_hbm.at[w], didx)

    @pl.when(c == 0)
    def _():
        pltpu.sync_copy(h_hbm.at[pl.ds(s * NPT, NPT)],
                        acc.at[pl.ds(s * NPT, NPT)])

    @pl.when(c == 1)
    def _():
        def zrow(t, carry):
            rows[t // 8, pl.ds((t % 8) * 16, 16)] = jnp.zeros((16,), jnp.float32)
            return carry
        lax.fori_loop(0, B * (D // 16), zrow, 0)
        for off in range(0, NPT, B):
            blk = min(B, NPT - off)
            pltpu.sync_copy(rows.at[pl.ds(0, blk)],
                            acc.at[pl.ds(s * NPT + off, blk)])

    plsc.subcore_barrier()

    def chunk(j, carry):
        pltpu.async_copy(h_hbm.at[sidx.at[j]], rows, sem).wait()
        pltpu.sync_copy(rows, acc.at[didx.at[j]], add=True)
        return carry

    lax.fori_loop(0, CH, chunk, 0)
    plsc.subcore_barrier()
    pltpu.sync_copy(acc.at[pl.ds(s * NPT, NPT)],
                    out_hbm.at[c, pl.ds(s * NPT, NPT)])


def _prep_body(deg_ref, x_ref, w1_ref, h_ref, dinv_ref):
    deg = deg_ref[pl.ds(0, NPAD)] + deg_ref[pl.ds(NPAD, NPAD)] + 1.0
    dinv = lax.rsqrt(deg).reshape(NPAD, 1)
    dinv_ref[...] = dinv
    h = jnp.dot(x_ref[...], w1_ref[...], preferred_element_type=jnp.float32)
    h = h * dinv[:N]
    h_ref[...] = jnp.concatenate(
        [h, jnp.zeros((NPAD - N, D), jnp.float32)], axis=0)


def _mid_body(p_ref, dinv_ref, b1_ref, g_ref, be_ref, w2_ref, out_ref):
    dinv = dinv_ref[pl.ds(0, N)]
    z = (p_ref[0, pl.ds(0, N)] + p_ref[1, pl.ds(0, N)]) * dinv \
        + b1_ref[...].reshape(1, D)
    mean = jnp.mean(z, axis=0, keepdims=True)
    cz = z - mean
    var = jnp.mean(cz * cz, axis=0, keepdims=True)
    y = cz * lax.rsqrt(var + 1e-5) * g_ref[...].reshape(1, D) \
        + be_ref[...].reshape(1, D)
    y = jnp.maximum(y, 0.0)
    h2 = jnp.dot(y, w2_ref[...], preferred_element_type=jnp.float32) * dinv
    out_ref[...] = jnp.concatenate(
        [h2, jnp.zeros((NPAD - N, D), jnp.float32)], axis=0)


def _final_body(p_ref, dinv_ref, b2_ref, out_ref):
    out_ref[...] = (p_ref[0, pl.ds(0, N)] + p_ref[1, pl.ds(0, N)]) \
        * dinv_ref[pl.ds(0, N)] + b2_ref[...].reshape(1, D)


_prep_tc = pl.pallas_call(
    _prep_body,
    out_shape=[jax.ShapeDtypeStruct((NPAD, D), jnp.float32),
               jax.ShapeDtypeStruct((NPAD, 1), jnp.float32)],
)
_mid_tc = pl.pallas_call(
    _mid_body,
    out_shape=jax.ShapeDtypeStruct((NPAD, D), jnp.float32),
)
_final_tc = pl.pallas_call(
    _final_body,
    out_shape=jax.ShapeDtypeStruct((N, D), jnp.float32),
)


def kernel(x, edge_index, W1, b1, bn_gamma, bn_beta, W2, b2):
    src = edge_index[0].astype(jnp.int32)
    dst = edge_index[1].astype(jnp.int32)
    fill = jnp.full((EPAD - E,), N, jnp.int32)
    srcp = jnp.concatenate([src, fill]).reshape(NW, CH, B)
    dstp = jnp.concatenate([dst, fill]).reshape(NW, CH, B)
    degp = _deg_sc(dstp)
    h1, dinv = _prep_tc(degp, x, W1)
    p1 = _scatter_sc(h1, srcp, dstp)
    h2 = _mid_tc(p1, dinv, b1, bn_gamma, bn_beta, W2)
    p2 = _scatter_sc(h2, srcp, dstp)
    return _final_tc(p2, dinv, b2)

# --- scband reference (transcript-rebuilt; emitter-appended) ---
"""Pipeline reference for scband-entity-gnn-86535001080497 (READ-ONLY COPY).

The authoritative reference and input builder live on the scoring server;
editing this copy changes nothing except your own understanding.
"""

import jax, jax.numpy as jnp
import numpy as np

N_NODES = 10000
N_EDGES = 320000
D_IN = 128
D_HID = 128
D_OUT = 128


def setup_inputs(seed: int = 0) -> dict:
    key = jax.random.key(seed)
    ks = jax.random.split(key, 8)
    x = jax.random.normal(ks[0], (N_NODES, D_IN), dtype=jnp.float32)
    edge_index = jax.random.randint(ks[1], (2, N_EDGES), 0, N_NODES, dtype=jnp.int64)
    W1 = jax.random.normal(ks[2], (D_IN, D_HID), dtype=jnp.float32) * (1.0 / np.sqrt(D_IN))
    b1 = jnp.zeros((D_HID,), dtype=jnp.float32)
    bn_gamma = jnp.ones((D_HID,), dtype=jnp.float32)
    bn_beta = jnp.zeros((D_HID,), dtype=jnp.float32)
    W2 = jax.random.normal(ks[3], (D_HID, D_OUT), dtype=jnp.float32) * (1.0 / np.sqrt(D_HID))
    b2 = jnp.zeros((D_OUT,), dtype=jnp.float32)
    return {"x": x, "edge_index": edge_index, "W1": W1, "b1": b1,
            "bn_gamma": bn_gamma, "bn_beta": bn_beta, "W2": W2, "b2": b2}


def _gcn_conv(x, src, dst, W, b, num_nodes):
    # PyG-style GCNConv: add self loops, symmetric normalization, scatter-add aggregation
    loop = jnp.arange(num_nodes, dtype=src.dtype)
    src_f = jnp.concatenate([src, loop])
    dst_f = jnp.concatenate([dst, loop])
    h = x @ W
    deg = jnp.zeros((num_nodes,), dtype=x.dtype).at[dst_f].add(1.0)
    dinv = jnp.where(deg > 0, 1.0 / jnp.sqrt(jnp.maximum(deg, 1.0)), 0.0)
    norm = dinv[src_f] * dinv[dst_f]
    msg = h[src_f] * norm[:, None]
    out = jnp.zeros((num_nodes, W.shape[1]), dtype=x.dtype).at[dst_f].add(msg)
    return out + b


def _batch_norm(x, gamma, beta, eps=1e-5):
    mean = jnp.mean(x, axis=0)
    var = jnp.var(x, axis=0)
    return (x - mean) / jnp.sqrt(var + eps) * gamma + beta


def reference(x, edge_index, W1, b1, bn_gamma, bn_beta, W2, b2):
    num_nodes = x.shape[0]
    src, dst = edge_index[0], edge_index[1]
    h = _gcn_conv(x, src, dst, W1, b1, num_nodes)
    h = _batch_norm(h, bn_gamma, bn_beta)
    h = jax.nn.relu(h)
    # dropout p=0.1 is identity in eval-mode reference
    out = _gcn_conv(h, src, dst, W2, b2, num_nodes)
    return out

if __name__ == "__main__":
    import jax
    _d = setup_inputs()
    print(jax.jit(kernel)(*tuple(_d.values())))

</pallas_src>

<mosaic_0001>
#map = affine_map<(d0, d1) -> (0, 0, 0)>
#map1 = affine_map<(d0, d1) -> (0)>
module attributes {stable_mosaic.version = 14 : i64} {
  func.func @_deg_sc(%arg0: i32, %arg1: i32, %arg2: memref<32x79x128xi32, #tpu.memory_space<hbm>>, %arg3: memref<20480xf32, #tpu.memory_space<hbm>>, %arg4: memref<79x128xi32, #tpu.memory_space<vmem>>, %arg5: memref<128xf32, #tpu.memory_space<vmem>>, %arg6: memref<640xf32, #tpu.memory_space<vmem>>, %arg7: memref<10240xf32, #tpu.memory_space<vmem_shared>>) attributes {dimension_semantics = [#tpu.dimension_semantics<core_parallel>, #tpu.dimension_semantics<subcore_parallel>], iteration_bounds = array<i64: 2, 16>, scalar_prefetch = 0 : i64, scratch_operands = 4 : i64, tpu.core_type = #tpu.core_type<sc_vector_subcore>, window_params = [{transform_indices = #map}, {transform_indices = #map1}]} {
    %mul3A = arith.constant 16 : i32
    %mul3A_0 = arith.muli %arg0, %mul3A : i32
    %add3A = arith.addi %mul3A_0, %arg1 : i32
    %broadcast_in_dim3A = arith.constant 0.000000e+00 : f32
    %broadcast_in_dim3A_1 = vector.broadcast %broadcast_in_dim3A : f32 to vector<16xf32>
    %swap3A = arith.constant 0 : index
    %swap3A_2 = tpu.vector_load %arg6[%swap3A] {strides = array<i32>} : memref<640xf32, #tpu.memory_space<vmem>>, vector<16xf32>,
    %swap3A_3 = vector.shape_cast %swap3A_2 : vector<16xf32> to vector<16xf32>
    %swap3A_4 = vector.shape_cast %broadcast_in_dim3A_1 : vector<16xf32> to vector<16xf32>
    tpu.vector_store %arg6[%swap3A], %swap3A_4 {strides = array<i32>} : memref<640xf32, #tpu.memory_space<vmem>>, vector<16xf32>,
    %broadcast_in_dim3A_5 = arith.constant 0.000000e+00 : f32
    %broadcast_in_dim3A_6 = vector.broadcast %broadcast_in_dim3A_5 : f32 to vector<16xf32>
    %swap3A_7 = arith.constant 16 : index
    %swap3A_8 = tpu.vector_load %arg6[%swap3A_7] {strides = array<i32>} : memref<640xf32, #tpu.memory_space<vmem>>, vector<16xf32>,
    %swap3A_9 = vector.shape_cast %swap3A_8 : vector<16xf32> to vector<16xf32>
    %swap3A_10 = vector.shape_cast %broadcast_in_dim3A_6 : vector<16xf32> to vector<16xf32>
    tpu.vector_store %arg6[%swap3A_7], %swap3A_10 {strides = array<i32>} : memref<640xf32, #tpu.memory_space<vmem>>, vector<16xf32>,
    %broadcast_in_dim3A_11 = arith.constant 0.000000e+00 : f32
    %broadcast_in_dim3A_12 = vector.broadcast %broadcast_in_dim3A_11 : f32 to vector<16xf32>
    %swap3A_13 = arith.constant 32 : index
    %swap3A_14 = tpu.vector_load %arg6[%swap3A_13] {strides = array<i32>} : memref<640xf32, #tpu.memory_space<vmem>>, vector<16xf32>,
    %swap3A_15 = vector.shape_cast %swap3A_14 : vector<16xf32> to vector<16xf32>
    %swap3A_16 = vector.shape_cast %broadcast_in_dim3A_12 : vector<16xf32> to vector<16xf32>
    tpu.vector_store %arg6[%swap3A_13], %swap3A_16 {strides = array<i32>} : memref<640xf32, #tpu.memory_space<vmem>>, vector<16xf32>,
    %broadcast_in_dim3A_17 = arith.constant 0.000000e+00 : f32
    %broadcast_in_dim3A_18 = vector.broadcast %broadcast_in_dim3A_17 : f32 to vector<16xf32>
    %swap3A_19 = arith.constant 48 : index
    %swap3A_20 = tpu.vector_load %arg6[%swap3A_19] {strides = array<i32>} : memref<640xf32, #tpu.memory_space<vmem>>, vector<16xf32>,
    %swap3A_21 = vector.shape_cast %swap3A_20 : vector<16xf32> to vector<16xf32>
    %swap3A_22 = vector.shape_cast %broadcast_in_dim3A_18 : vector<16xf32> to vector<16xf32>
    tpu.vector_store %arg6[%swap3A_19], %swap3A_22 {strides = array<i32>} : memref<640xf32, #tpu.memory_space<vmem>>, vector<16xf32>,
    %broadcast_in_dim3A_23 = arith.constant 0.000000e+00 : f32
    %broadcast_in_dim3A_24 = vector.broadcast %broadcast_in_dim3A_23 : f32 to vector<16xf32>
    %swap3A_25 = arith.constant 64 : index
    %swap3A_26 = tpu.vector_load %arg6[%swap3A_25] {strides = array<i32>} : memref<640xf32, #tpu.memory_space<vmem>>, vector<16xf32>,
    %swap3A_27 = vector.shape_cast %swap3A_26 : vector<16xf32> to vector<16xf32>
    %swap3A_28 = vector.shape_cast %broadcast_in_dim3A_24 : vector<16xf32> to vector<16xf32>
    tpu.vector_store %arg6[%swap3A_25], %swap3A_28 {strides = array<i32>} : memref<640xf32, #tpu.memory_space<vmem>>, vector<16xf32>,
    %broadcast_in_dim3A_29 = arith.constant 0.000000e+00 : f32
    %broadcast_in_dim3A_30 = vector.broadcast %broadcast_in_dim3A_29 : f32 to vector<16xf32>
    %swap3A_31 = arith.constant 80 : index
    %swap3A_32 = tpu.vector_load %arg6[%swap3A_31] {strides = array<i32>} : memref<640xf32, #tpu.memory_space<vmem>>, vector<16xf32>,
    %swap3A_33 = vector.shape_cast %swap3A_32 : vector<16xf32> to vector<16xf32>
    %swap3A_34 = vector.shape_cast %broadcast_in_dim3A_30 : vector<16xf32> to vector<16xf32>
    tpu.vector_store %arg6[%swap3A_31], %swap3A_34 {strides = array<i32>} : memref<640xf32, #tpu.memory_space<vmem>>, vector<16xf32>,
    %broadcast_in_dim3A_35 = arith.constant 0.000000e+00 : f32
    %broadcast_in_dim3A_36 = vector.broadcast %broadcast_in_dim3A_35 : f32 to vector<16xf32>
    %swap3A_37 = arith.constant 96 : index
    %swap3A_38 = tpu.vector_load %arg6[%swap3A_37] {strides = array<i32>} : memref<640xf32, #tpu.memory_space<vmem>>, vector<16xf32>,
    %swap3A_39 = vector.shape_cast %swap3A_38 : vector<16xf32> to vector<16xf32>
    %swap3A_40 = vector.shape_cast %broadcast_in_dim3A_36 : vector<16xf32> to vector<16xf32>
    tpu.vector_store %arg6[%swap3A_37], %swap3A_40 {strides = array<i32>} : memref<640xf32, #tpu.memory_space<vmem>>, vector<16xf32>,
    %broadcast_in_dim3A_41 = arith.constant 0.000000e+00 : f32
    %broadcast_in_dim3A_42 = vector.broadcast %broadcast_in_dim3A_41 : f32 to vector<16xf32>
    %swap3A_43 = arith.constant 112 : index
    %swap3A_44 = tpu.vector_load %arg6[%swap3A_43] {strides = array<i32>} : memref<640xf32, #tpu.memory_space<vmem>>, vector<16xf32>,
    %swap3A_45 = vector.shape_cast %swap3A_44 : vector<16xf32> to vector<16xf32>
    %swap3A_46 = vector.shape_cast %broadcast_in_dim3A_42 : vector<16xf32> to vector<16xf32>
    tpu.vector_store %arg6[%swap3A_43], %swap3A_46 {strides = array<i32>} : memref<640xf32, #tpu.memory_space<vmem>>, vector<16xf32>,
    %broadcast_in_dim3A_47 = arith.constant 0.000000e+00 : f32
    %broadcast_in_dim3A_48 = vector.broadcast %broadcast_in_dim3A_47 : f32 to vector<16xf32>
    %swap3A_49 = arith.constant 128 : index
    %swap3A_50 = tpu.vector_load %arg6[%swap3A_49] {strides = array<i32>} : memref<640xf32, #tpu.memory_space<vmem>>, vector<16xf32>,
    %swap3A_51 = vector.shape_cast %swap3A_50 : vector<16xf32> to vector<16xf32>
    %swap3A_52 = vector.shape_cast %broadcast_in_dim3A_48 : vector<16xf32> to vector<16xf32>
    tpu.vector_store %arg6[%swap3A_49], %swap3A_52 {strides = array<i32>} : memref<640xf32, #tpu.memory_space<vmem>>, vector<16xf32>,
    %broadcast_in_dim3A_53 = arith.constant 0.000000e+00 : f32
    %broadcast_in_dim3A_54 = vector.broadcast %broadcast_in_dim3A_53 : f32 to vector<16xf32>
    %swap3A_55 = arith.constant 144 : index
    %swap3A_56 = tpu.vector_load %arg6[%swap3A_55] {strides = array<i32>} : memref<640xf32, #tpu.memory_space<vmem>>, vector<16xf32>,
    %swap3A_57 = vector.shape_cast %swap3A_56 : vector<16xf32> to vector<16xf32>
    %swap3A_58 = vector.shape_cast %broadcast_in_dim3A_54 : vector<16xf32> to vector<16xf32>
    tpu.vector_store %arg6[%swap3A_55], %swap3A_58 {strides = array<i32>} : memref<640xf32, #tpu.memory_space<vmem>>, vector<16xf32>,
    %broadcast_in_dim3A_59 = arith.constant 0.000000e+00 : f32
    %broadcast_in_dim3A_60 = vector.broadcast %broadcast_in_dim3A_59 : f32 to vector<16xf32>
    %swap3A_61 = arith.constant 160 : index
    %swap3A_62 = tpu.vector_load %arg6[%swap3A_61] {strides = array<i32>} : memref<640xf32, #tpu.memory_space<vmem>>, vector<16xf32>,
    %swap3A_63 = vector.shape_cast %swap3A_62 : vector<16xf32> to vector<16xf32>
    %swap3A_64 = vector.shape_cast %broadcast_in_dim3A_60 : vector<16xf32> to vector<16xf32>
    tpu.vector_store %arg6[%swap3A_61], %swap3A_64 {strides = array<i32>} : memref<640xf32, #tpu.memory_space<vmem>>, vector<16xf32>,
    %broadcast_in_dim3A_65 = arith.constant 0.000000e+00 : f32
    %broadcast_in_dim3A_66 = vector.broadcast %broadcast_in_dim3A_65 : f32 to vector<16xf32>
    %swap3A_67 = arith.constant 176 : index
    %swap3A_68 = tpu.vector_load %arg6[%swap3A_67] {strides = array<i32>} : memref<640xf32, #tpu.memory_space<vmem>>, vector<16xf32>,
    %swap3A_69 = vector.shape_cast %swap3A_68 : vector<16xf32> to vector<16xf32>
    %swap3A_70 = vector.shape_cast %broadcast_in_dim3A_66 : vector<16xf32> to vector<16xf32>
    tpu.vector_store %arg6[%swap3A_67], %swap3A_70 {strides = array<i32>} : memref<640xf32, #tpu.memory_space<vmem>>, vector<16xf32>,
    %broadcast_in_dim3A_71 = arith.constant 0.000000e+00 : f32
    %broadcast_in_dim3A_72 = vector.broadcast %broadcast_in_dim3A_71 : f32 to vector<16xf32>
    %swap3A_73 = arith.constant 192 : index
    %swap3A_74 = tpu.vector_load %arg6[%swap3A_73] {strides = array<i32>} : memref<640xf32, #tpu.memory_space<vmem>>, vector<16xf32>,
    %swap3A_75 = vector.shape_cast %swap3A_74 : vector<16xf32> to vector<16xf32>
    %swap3A_76 = vector.shape_cast %broadcast_in_dim3A_72 : vector<16xf32> to vector<16xf32>
    tpu.vector_store %arg6[%swap3A_73], %swap3A_76 {strides = array<i32>} : memref<640xf32, #tpu.memory_space<vmem>>, vector<16xf32>,
    %broadcast_in_dim3A_77 = arith.constant 0.000000e+00 : f32
    %broadcast_in_dim3A_78 = vector.broadcast %broadcast_in_dim3A_77 : f32 to vector<16xf32>
    %swap3A_79 = arith.constant 208 : index
    %swap3A_80 = tpu.vector_load %arg6[%swap3A_79] {strides = array<i32>} : memref<640xf32, #tpu.memory_space<vmem>>, vector<16xf32>,
    %swap3A_81 = vector.shape_cast %swap3A_80 : vector<16xf32> to vector<16xf32>
    %swap3A_82 = vector.shape_cast %broadcast_in_dim3A_78 : vector<16xf32> to vector<16xf32>
    tpu.vector_store %arg6[%swap3A_79], %swap3A_82 {strides = array<i32>} : memref<640xf32, #tpu.memory_space<vmem>>, vector<16xf32>,
    %broadcast_in_dim3A_83 = arith.constant 0.000000e+00 : f32
    %broadcast_in_dim3A_84 = vector.broadcast %broadcast_in_dim3A_83 : f32 to vector<16xf32>
    %swap3A_85 = arith.constant 224 : index
    %swap3A_86 = tpu.vector_load %arg6[%swap3A_85] {strides = array<i32>} : memref<640xf32, #tpu.memory_space<vmem>>, vector<16xf32>,
    %swap3A_87 = vector.shape_cast %swap3A_86 : vector<16xf32> to vector<16xf32>
    %swap3A_88 = vector.shape_cast %broadcast_in_dim3A_84 : vector<16xf32> to vector<16xf32>
    tpu.vector_store %arg6[%swap3A_85], %swap3A_88 {strides = array<i32>} : memref<640xf32, #tpu.memory_space<vmem>>, vector<16xf32>,
    %broadcast_in_dim3A_89 = arith.constant 0.000000e+00 : f32
    %broadcast_in_dim3A_90 = vector.broadcast %broadcast_in_dim3A_89 : f32 to vector<16xf32>
    %swap3A_91 = arith.constant 240 : index
    %swap3A_92 = tpu.vector_load %arg6[%swap3A_91] {strides = array<i32>} : memref<640xf32, #tpu.memory_space<vmem>>, vector<16xf32>,
    %swap3A_93 = vector.shape_cast %swap3A_92 : vector<16xf32> to vector<16xf32>
    %swap3A_94 = vector.shape_cast %broadcast_in_dim3A_90 : vector<16xf32> to vector<16xf32>
    tpu.vector_store %arg6[%swap3A_91], %swap3A_94 {strides = array<i32>} : memref<640xf32, #tpu.memory_space<vmem>>, vector<16xf32>,
    %broadcast_in_dim3A_95 = arith.constant 0.000000e+00 : f32
    %broadcast_in_dim3A_96 = vector.broadcast %broadcast_in_dim3A_95 : f32 to vector<16xf32>
    %swap3A_97 = arith.constant 256 : index
    %swap3A_98 = tpu.vector_load %arg6[%swap3A_97] {strides = array<i32>} : memref<640xf32, #tpu.memory_space<vmem>>, vector<16xf32>,
    %swap3A_99 = vector.shape_cast %swap3A_98 : vector<16xf32> to vector<16xf32>
    %swap3A_100 = vector.shape_cast %broadcast_in_dim3A_96 : vector<16xf32> to vector<16xf32>
    tpu.vector_store %arg6[%swap3A_97], %swap3A_100 {strides = array<i32>} : memref<640xf32, #tpu.memory_space<vmem>>, vector<16xf32>,
    %broadcast_in_dim3A_101 = arith.constant 0.000000e+00 : f32
    %broadcast_in_dim3A_102 = vector.broadcast %broadcast_in_dim3A_101 : f32 to vector<16xf32>
    %swap3A_103 = arith.constant 272 : index
    %swap3A_104 = tpu.vector_load %arg6[%swap3A_103] {strides = array<i32>} : memref<640xf32, #tpu.memory_space<vmem>>, vector<16xf32>,
    %swap3A_105 = vector.shape_cast %swap3A_104 : vector<16xf32> to vector<16xf32>
    %swap3A_106 = vector.shape_cast %broadcast_in_dim3A_102 : vector<16xf32> to vector<16xf32>
    tpu.vector_store %arg6[%swap3A_103], %swap3A_106 {strides = array<i32>} : memref<640xf32, #tpu.memory_space<vmem>>, vector<16xf32>,
    %broadcast_in_dim3A_107 = arith.constant 0.000000e+00 : f32
    %broadcast_in_dim3A_108 = vector.broadcast %broadcast_in_dim3A_107 : f32 to vector<16xf32>
    %swap3A_109 = arith.constant 288 : index
    %swap3A_110 = tpu.vector_load %arg6[%swap3A_109] {strides = array<i32>} : memref<640xf32, #tpu.memory_space<vmem>>, vector<16xf32>,
    %swap3A_111 = vector.shape_cast %swap3A_110 : vector<16xf32> to vector<16xf32>
    %swap3A_112 = vector.shape_cast %broadcast_in_dim3A_108 : vector<16xf32> to vector<16xf32>
    tpu.vector_store %arg6[%swap3A_109], %swap3A_112 {strides = array<i32>} : memref<640xf32, #tpu.memory_space<vmem>>, vector<16xf32>,
    %broadcast_in_dim3A_113 = arith.constant 0.000000e+00 : f32
    %broadcast_in_dim3A_114 = vector.broadcast %broadcast_in_dim3A_113 : f32 to vector<16xf32>
    %swap3A_115 = arith.constant 304 : index
    %swap3A_116 = tpu.vector_load %arg6[%swap3A_115] {strides = array<i32>} : memref<640xf32, #tpu.memory_space<vmem>>, vector<16xf32>,
    %swap3A_117 = vector.shape_cast %swap3A_116 : vector<16xf32> to vector<16xf32>
    %swap3A_118 = vector.shape_cast %broadcast_in_dim3A_114 : vector<16xf32> to vector<16xf32>
    tpu.vector_store %arg6[%swap3A_115], %swap3A_118 {strides = array<i32>} : memref<640xf32, #tpu.memory_space<vmem>>, vector<16xf32>,
    %broadcast_in_dim3A_119 = arith.constant 0.000000e+00 : f32
    %broadcast_in_dim3A_120 = vector.broadcast %broadcast_in_dim3A_119 : f32 to vector<16xf32>
    %swap3A_121 = arith.constant 320 : index
    %swap3A_122 = tpu.vector_load %arg6[%swap3A_121] {strides = array<i32>} : memref<640xf32, #tpu.memory_space<vmem>>, vector<16xf32>,
    %swap3A_123 = vector.shape_cast %swap3A_122 : vector<16xf32> to vector<16xf32>
    %swap3A_124 = vector.shape_cast %broadcast_in_dim3A_120 : vector<16xf32> to vector<16xf32>
    tpu.vector_store %arg6[%swap3A_121], %swap3A_124 {strides = array<i32>} : memref<640xf32, #tpu.memory_space<vmem>>, vector<16xf32>,
    %broadcast_in_dim3A_125 = arith.constant 0.000000e+00 : f32
    %broadcast_in_dim3A_126 = vector.broadcast %broadcast_in_dim3A_125 : f32 to vector<16xf32>
    %swap3A_127 = arith.constant 336 : index
    %swap3A_128 = tpu.vector_load %arg6[%swap3A_127] {strides = array<i32>} : memref<640xf32, #tpu.memory_space<vmem>>, vector<16xf32>,
    %swap3A_129 = vector.shape_cast %swap3A_128 : vector<16xf32> to vector<16xf32>
    %swap3A_130 = vector.shape_cast %broadcast_in_dim3A_126 : vector<16xf32> to vector<16xf32>
    tpu.vector_store %arg6[%swap3A_127], %swap3A_130 {strides = array<i32>} : memref<640xf32, #tpu.memory_space<vmem>>, vector<16xf32>,
    %broadcast_in_dim3A_131 = arith.constant 0.000000e+00 : f32
    %broadcast_in_dim3A_132 = vector.broadcast %broadcast_in_dim3A_131 : f32 to vector<16xf32>
    %swap3A_133 = arith.constant 352 : index
    %swap3A_134 = tpu.vector_load %arg6[%swap3A_133] {strides = array<i32>} : memref<640xf32, #tpu.memory_space<vmem>>, vector<16xf32>,
    %swap3A_135 = vector.shape_cast %swap3A_134 : vector<16xf32> to vector<16xf32>
    %swap3A_136 = vector.shape_cast %broadcast_in_dim3A_132 : vector<16xf32> to vector<16xf32>
    tpu.vector_store %arg6[%swap3A_133], %swap3A_136 {strides = array<i32>} : memref<640xf32, #tpu.memory_space<vmem>>, vector<16xf32>,
    %broadcast_in_dim3A_137 = arith.constant 0.000000e+00 : f32
    %broadcast_in_dim3A_138 = vector.broadcast %broadcast_in_dim3A_137 : f32 to vector<16xf32>
    %swap3A_139 = arith.constant 368 : index
    %swap3A_140 = tpu.vector_load %arg6[%swap3A_139] {strides = array<i32>} : memref<640xf32, #tpu.memory_space<vmem>>, vector<16xf32>,
    %swap3A_141 = vector.shape_cast %swap3A_140 : vector<16xf32> to vector<16xf32>
    %swap3A_142 = vector.shape_cast %broadcast_in_dim3A_138 : vector<16xf32> to vector<16xf32>
    tpu.vector_store %arg6[%swap3A_139], %swap3A_142 {strides = array<i32>} : memref<640xf32, #tpu.memory_space<vmem>>, vector<16xf32>,
    %broadcast_in_dim3A_143 = arith.constant 0.000000e+00 : f32
    %broadcast_in_dim3A_144 = vector.broadcast %broadcast_in_dim3A_143 : f32 to vector<16xf32>
    %swap3A_145 = arith.constant 384 : index
    %swap3A_146 = tpu.vector_load %arg6[%swap3A_145] {strides = array<i32>} : memref<640xf32, #tpu.memory_space<vmem>>, vector<16xf32>,
    %swap3A_147 = vector.shape_cast %swap3A_146 : vector<16xf32> to vector<16xf32>
    %swap3A_148 = vector.shape_cast %broadcast_in_dim3A_144 : vector<16xf32> to vector<16xf32>
    tpu.vector_store %arg6[%swap3A_145], %swap3A_148 {strides = array<i32>} : memref<640xf32, #tpu.memory_space<vmem>>, vector<16xf32>,
    %broadcast_in_dim3A_149 = arith.constant 0.000000e+00 : f32
    %broadcast_in_dim3A_150 = vector.broadcast %broadcast_in_dim3A_149 : f32 to vector<16xf32>
    %swap3A_151 = arith.constant 400 : index
    %swap3A_152 = tpu.vector_load %arg6[%swap3A_151] {strides = array<i32>} : memref<640xf32, #tpu.memory_space<vmem>>, vector<16xf32>,
    %swap3A_153 = vector.shape_cast %swap3A_152 : vector<16xf32> to vector<16xf32>
    %swap3A_154 = vector.shape_cast %broadcast_in_dim3A_150 : vector<16xf32> to vector<16xf32>
    tpu.vector_store %arg6[%swap3A_151], %swap3A_154 {strides = array<i32>} : memref<640xf32, #tpu.memory_space<vmem>>, vector<16xf32>,
    %broadcast_in_dim3A_155 = arith.constant 0.000000e+00 : f32
    %broadcast_in_dim3A_156 = vector.broadcast %broadcast_in_dim3A_155 : f32 to vector<16xf32>
    %swap3A_157 = arith.constant 416 : index
    %swap3A_158 = tpu.vector_load %arg6[%swap3A_157] {strides = array<i32>} : memref<640xf32, #tpu.memory_space<vmem>>, vector<16xf32>,
    %swap3A_159 = vector.shape_cast %swap3A_158 : vector<16xf32> to vector<16xf32>
    %swap3A_160 = vector.shape_cast %broadcast_in_dim3A_156 : vector<16xf32> to vector<16xf32>
    tpu.vector_store %arg6[%swap3A_157], %swap3A_160 {strides = array<i32>} : memref<640xf32, #tpu.memory_space<vmem>>, vector<16xf32>,
    %broadcast_in_dim3A_161 = arith.constant 0.000000e+00 : f32
    %broadcast_in_dim3A_162 = vector.broadcast %broadcast_in_dim3A_161 : f32 to vector<16xf32>
    %swap3A_163 = arith.constant 432 : index
    %swap3A_164 = tpu.vector_load %arg6[%swap3A_163] {strides = array<i32>} : memref<640xf32, #tpu.memory_space<vmem>>, vector<16xf32>,
    %swap3A_165 = vector.shape_cast %swap3A_164 : vector<16xf32> to vector<16xf32>
    %swap3A_166 = vector.shape_cast %broadcast_in_dim3A_162 : vector<16xf32> to vector<16xf32>
    tpu.vector_store %arg6[%swap3A_163], %swap3A_166 {strides = array<i32>} : memref<640xf32, #tpu.memory_space<vmem>>, vector<16xf32>,
    %broadcast_in_dim3A_167 = arith.constant 0.000000e+00 : f32
    %broadcast_in_dim3A_168 = vector.broadcast %broadcast_in_dim3A_167 : f32 to vector<16xf32>
    %swap3A_169 = arith.constant 448 : index
    %swap3A_170 = tpu.vector_load %arg6[%swap3A_169] {strides = array<i32>} : memref<640xf32, #tpu.memory_space<vmem>>, vector<16xf32>,
    %swap3A_171 = vector.shape_cast %swap3A_170 : vector<16xf32> to vector<16xf32>
    %swap3A_172 = vector.shape_cast %broadcast_in_dim3A_168 : vector<16xf32> to vector<16xf32>
    tpu.vector_store %arg6[%swap3A_169], %swap3A_172 {strides = array<i32>} : memref<640xf32, #tpu.memory_space<vmem>>, vector<16xf32>,
    %broadcast_in_dim3A_173 = arith.constant 0.000000e+00 : f32
    %broadcast_in_dim3A_174 = vector.broadcast %broadcast_in_dim3A_173 : f32 to vector<16xf32>
    %swap3A_175 = arith.constant 464 : index
    %swap3A_176 = tpu.vector_load %arg6[%swap3A_175] {strides = array<i32>} : memref<640xf32, #tpu.memory_space<vmem>>, vector<16xf32>,
    %swap3A_177 = vector.shape_cast %swap3A_176 : vector<16xf32> to vector<16xf32>
    %swap3A_178 = vector.shape_cast %broadcast_in_dim3A_174 : vector<16xf32> to vector<16xf32>
    tpu.vector_store %arg6[%swap3A_175], %swap3A_178 {strides = array<i32>} : memref<640xf32, #tpu.memory_space<vmem>>, vector<16xf32>,
    %broadcast_in_dim3A_179 = arith.constant 0.000000e+00 : f32
    %broadcast_in_dim3A_180 = vector.broadcast %broadcast_in_dim3A_179 : f32 to vector<16xf32>
    %swap3A_181 = arith.constant 480 : index
    %swap3A_182 = tpu.vector_load %arg6[%swap3A_181] {strides = array<i32>} : memref<640xf32, #tpu.memory_space<vmem>>, vector<16xf32>,
    %swap3A_183 = vector.shape_cast %swap3A_182 : vector<16xf32> to vector<16xf32>
    %swap3A_184 = vector.shape_cast %broadcast_in_dim3A_180 : vector<16xf32> to vector<16xf32>
    tpu.vector_store %arg6[%swap3A_181], %swap3A_184 {strides = array<i32>} : memref<640xf32, #tpu.memory_space<vmem>>, vector<16xf32>,
    %broadcast_in_dim3A_185 = arith.constant 0.000000e+00 : f32
    %broadcast_in_dim3A_186 = vector.broadcast %broadcast_in_dim3A_185 : f32 to vector<16xf32>
    %swap3A_187 = arith.constant 496 : index
    %swap3A_188 = tpu.vector_load %arg6[%swap3A_187] {strides = array<i32>} : memref<640xf32, #tpu.memory_space<vmem>>, vector<16xf32>,
    %swap3A_189 = vector.shape_cast %swap3A_188 : vector<16xf32> to vector<16xf32>
    %swap3A_190 = vector.shape_cast %broadcast_in_dim3A_186 : vector<16xf32> to vector<16xf32>
    tpu.vector_store %arg6[%swap3A_187], %swap3A_190 {strides = array<i32>} : memref<640xf32, #tpu.memory_space<vmem>>, vector<16xf32>,
    %broadcast_in_dim3A_191 = arith.constant 0.000000e+00 : f32
    %broadcast_in_dim3A_192 = vector.broadcast %broadcast_in_dim3A_191 : f32 to vector<16xf32>
    %swap3A_193 = arith.constant 512 : index
    %swap3A_194 = tpu.vector_load %arg6[%swap3A_193] {strides = array<i32>} : memref<640xf32, #tpu.memory_space<vmem>>, vector<16xf32>,
    %swap3A_195 = vector.shape_cast %swap3A_194 : vector<16xf32> to vector<16xf32>
    %swap3A_196 = vector.shape_cast %broadcast_in_dim3A_192 : vector<16xf32> to vector<16xf32>
    tpu.vector_store %arg6[%swap3A_193], %swap3A_196 {strides = array<i32>} : memref<640xf32, #tpu.memory_space<vmem>>, vector<16xf32>,
    %broadcast_in_dim3A_197 = arith.constant 0.000000e+00 : f32
    %broadcast_in_dim3A_198 = vector.broadcast %broadcast_in_dim3A_197 : f32 to vector<16xf32>
    %swap3A_199 = arith.constant 528 : index
    %swap3A_200 = tpu.vector_load %arg6[%swap3A_199] {strides = array<i32>} : memref<640xf32, #tpu.memory_space<vmem>>, vector<16xf32>,
    %swap3A_201 = vector.shape_cast %swap3A_200 : vector<16xf32> to vector<16xf32>
    %swap3A_202 = vector.shape_cast %broadcast_in_dim3A_198 : vector<16xf32> to vector<16xf32>
    tpu.vector_store %arg6[%swap3A_199], %swap3A_202 {strides = array<i32>} : memref<640xf32, #tpu.memory_space<vmem>>, vector<16xf32>,
    %broadcast_in_dim3A_203 = arith.constant 0.000000e+00 : f32
    %broadcast_in_dim3A_204 = vector.broadcast %broadcast_in_dim3A_203 : f32 to vector<16xf32>
    %swap3A_205 = arith.constant 544 : index
    %swap3A_206 = tpu.vector_load %arg6[%swap3A_205] {strides = array<i32>} : memref<640xf32, #tpu.memory_space<vmem>>, vector<16xf32>,
    %swap3A_207 = vector.shape_cast %swap3A_206 : vector<16xf32> to vector<16xf32>
    %swap3A_208 = vector.shape_cast %broadcast_in_dim3A_204 : vector<16xf32> to vector<16xf32>
    tpu.vector_store %arg6[%swap3A_205], %swap3A_208 {strides = array<i32>} : memref<640xf32, #tpu.memory_space<vmem>>, vector<16xf32>,
    %broadcast_in_dim3A_209 = arith.constant 0.000000e+00 : f32
    %broadcast_in_dim3A_210 = vector.broadcast %broadcast_in_dim3A_209 : f32 to vector<16xf32>
    %swap3A_211 = arith.constant 560 : index
    %swap3A_212 = tpu.vector_load %arg6[%swap3A_211] {strides = array<i32>} : memref<640xf32, #tpu.memory_space<vmem>>, vector<16xf32>,
    %swap3A_213 = vector.shape_cast %swap3A_212 : vector<16xf32> to vector<16xf32>
    %swap3A_214 = vector.shape_cast %broadcast_in_dim3A_210 : vector<16xf32> to vector<16xf32>
    tpu.vector_store %arg6[%swap3A_211], %swap3A_214 {strides = array<i32>} : memref<640xf32, #tpu.memory_space<vmem>>, vector<16xf32>,
    %broadcast_in_dim3A_215 = arith.constant 0.000000e+00 : f32
    %broadcast_in_dim3A_216 = vector.broadcast %broadcast_in_dim3A_215 : f32 to vector<16xf32>
    %swap3A_217 = arith.constant 576 : index
    %swap3A_218 = tpu.vector_load %arg6[%swap3A_217] {strides = array<i32>} : memref<640xf32, #tpu.memory_space<vmem>>, vector<16xf32>,
    %swap3A_219 = vector.shape_cast %swap3A_218 : vector<16xf32> to vector<16xf32>
    %swap3A_220 = vector.shape_cast %broadcast_in_dim3A_216 : vector<16xf32> to vector<16xf32>
    tpu.vector_store %arg6[%swap3A_217], %swap3A_220 {strides = array<i32>} : memref<640xf32, #tpu.memory_space<vmem>>, vector<16xf32>,
    %broadcast_in_dim3A_221 = arith.constant 0.000000e+00 : f32
    %broadcast_in_dim3A_222 = vector.broadcast %broadcast_in_dim3A_221 : f32 to vector<16xf32>
    %swap3A_223 = arith.constant 592 : index
    %swap3A_224 = tpu.vector_load %arg6[%swap3A_223] {strides = array<i32>} : memref<640xf32, #tpu.memory_space<vmem>>, vector<16xf32>,
    %swap3A_225 = vector.shape_cast %swap3A_224 : vector<16xf32> to vector<16xf32>
    %swap3A_226 = vector.shape_cast %broadcast_in_dim3A_222 : vector<16xf32> to vector<16xf32>
    tpu.vector_store %arg6[%swap3A_223], %swap3A_226 {strides = array<i32>} : memref<640xf32, #tpu.memory_space<vmem>>, vector<16xf32>,
    %broadcast_in_dim3A_227 = arith.constant 0.000000e+00 : f32
    %broadcast_in_dim3A_228 = vector.broadcast %broadcast_in_dim3A_227 : f32 to vector<16xf32>
    %swap3A_229 = arith.constant 608 : index
    %swap3A_230 = tpu.vector_load %arg6[%swap3A_229] {strides = array<i32>} : memref<640xf32, #tpu.memory_space<vmem>>, vector<16xf32>,
    %swap3A_231 = vector.shape_cast %swap3A_230 : vector<16xf32> to vector<16xf32>
    %swap3A_232 = vector.shape_cast %broadcast_in_dim3A_228 : vector<16xf32> to vector<16xf32>
    tpu.vector_store %arg6[%swap3A_229], %swap3A_232 {strides = array<i32>} : memref<640xf32, #tpu.memory_space<vmem>>, vector<16xf32>,
    %broadcast_in_dim3A_233 = arith.constant 0.000000e+00 : f32
    %broadcast_in_dim3A_234 = vector.broadcast %broadcast_in_dim3A_233 : f32 to vector<16xf32>
    %swap3A_235 = arith.constant 624 : index
    %swap3A_236 = tpu.vector_load %arg6[%swap3A_235] {strides = array<i32>} : memref<640xf32, #tpu.memory_space<vmem>>, vector<16xf32>,
    %swap3A_237 = vector.shape_cast %swap3A_236 : vector<16xf32> to vector<16xf32>
    %swap3A_238 = vector.shape_cast %broadcast_in_dim3A_234 : vector<16xf32> to vector<16xf32>
    tpu.vector_store %arg6[%swap3A_235], %swap3A_238 {strides = array<i32>} : memref<640xf32, #tpu.memory_space<vmem>>, vector<16xf32>,
    %broadcast_in_dim3A_239 = arith.constant 1.000000e+00 : f32
    %broadcast_in_dim3A_240 = vector.broadcast %broadcast_in_dim3A_239 : f32 to vector<16xf32>
    %swap3A_241 = arith.constant 0 : index
    %swap3A_242 = tpu.vector_load %arg5[%swap3A_241] {strides = array<i32>} : memref<128xf32, #tpu.memory_space<vmem>>, vector<16xf32>,
    %swap3A_243 = vector.shape_cast %swap3A_242 : vector<16xf32> to vector<16xf32>
    %swap3A_244 = vector.shape_cast %broadcast_in_dim3A_240 : vector<16xf32> to vector<16xf32>
    tpu.vector_store %arg5[%swap3A_241], %swap3A_244 {strides = array<i32>} : memref<128xf32, #tpu.memory_space<vmem>>, vector<16xf32>,
    %broadcast_in_dim3A_245 = arith.constant 1.000000e+00 : f32
    %broadcast_in_dim3A_246 = vector.broadcast %broadcast_in_dim3A_245 : f32 to vector<16xf32>
    %swap3A_247 = arith.constant 16 : index
    %swap3A_248 = tpu.vector_load %arg5[%swap3A_247] {strides = array<i32>} : memref<128xf32, #tpu.memory_space<vmem>>, vector<16xf32>,
    %swap3A_249 = vector.shape_cast %swap3A_248 : vector<16xf32> to vector<16xf32>
    %swap3A_250 = vector.shape_cast %broadcast_in_dim3A_246 : vector<16xf32> to vector<16xf32>
    tpu.vector_store %arg5[%swap3A_247], %swap3A_250 {strides = array<i32>} : memref<128xf32, #tpu.memory_space<vmem>>, vector<16xf32>,
    %broadcast_in_dim3A_251 = arith.constant 1.000000e+00 : f32
    %broadcast_in_dim3A_252 = vector.broadcast %broadcast_in_dim3A_251 : f32 to vector<16xf32>
    %swap3A_253 = arith.constant 32 : index
    %swap3A_254 = tpu.vector_load %arg5[%swap3A_253] {strides = array<i32>} : memref<128xf32, #tpu.memory_space<vmem>>, vector<16xf32>,
    %swap3A_255 = vector.shape_cast %swap3A_254 : vector<16xf32> to vector<16xf32>
    %swap3A_256 = vector.shape_cast %broadcast_in_dim3A_252 : vector<16xf32> to vector<16xf32>
    tpu.vector_store %arg5[%swap3A_253], %swap3A_256 {strides = array<i32>} : memref<128xf32, #tpu.memory_space<vmem>>, vector<16xf32>,
    %broadcast_in_dim3A_257 = arith.constant 1.000000e+00 : f32
    %broadcast_in_dim3A_258 = vector.broadcast %broadcast_in_dim3A_257 : f32 to vector<16xf32>
    %swap3A_259 = arith.constant 48 : index
    %swap3A_260 = tpu.vector_load %arg5[%swap3A_259] {strides = array<i32>} : memref<128xf32, #tpu.memory_space<vmem>>, vector<16xf32>,
    %swap3A_261 = vector.shape_cast %swap3A_260 : vector<16xf32> to vector<16xf32>
    %swap3A_262 = vector.shape_cast %broadcast_in_dim3A_258 : vector<16xf32> to vector<16xf32>
    tpu.vector_store %arg5[%swap3A_259], %swap3A_262 {strides = array<i32>} : memref<128xf32, #tpu.memory_space<vmem>>, vector<16xf32>,
    %broadcast_in_dim3A_263 = arith.constant 1.000000e+00 : f32
    %broadcast_in_dim3A_264 = vector.broadcast %broadcast_in_dim3A_263 : f32 to vector<16xf32>
    %swap3A_265 = arith.constant 64 : index
    %swap3A_266 = tpu.vector_load %arg5[%swap3A_265] {strides = array<i32>} : memref<128xf32, #tpu.memory_space<vmem>>, vector<16xf32>,
    %swap3A_267 = vector.shape_cast %swap3A_266 : vector<16xf32> to vector<16xf32>
    %swap3A_268 = vector.shape_cast %broadcast_in_dim3A_264 : vector<16xf32> to vector<16xf32>
    tpu.vector_store %arg5[%swap3A_265], %swap3A_268 {strides = array<i32>} : memref<128xf32, #tpu.memory_space<vmem>>, vector<16xf32>,
    %broadcast_in_dim3A_269 = arith.constant 1.000000e+00 : f32
    %broadcast_in_dim3A_270 = vector.broadcast %broadcast_in_dim3A_269 : f32 to vector<16xf32>
    %swap3A_271 = arith.constant 80 : index
    %swap3A_272 = tpu.vector_load %arg5[%swap3A_271] {strides = array<i32>} : memref<128xf32, #tpu.memory_space<vmem>>, vector<16xf32>,
    %swap3A_273 = vector.shape_cast %swap3A_272 : vector<16xf32> to vector<16xf32>
    %swap3A_274 = vector.shape_cast %broadcast_in_dim3A_270 : vector<16xf32> to vector<16xf32>
    tpu.vector_store %arg5[%swap3A_271], %swap3A_274 {strides = array<i32>} : memref<128xf32, #tpu.memory_space<vmem>>, vector<16xf32>,
    %broadcast_in_dim3A_275 = arith.constant 1.000000e+00 : f32
    %broadcast_in_dim3A_276 = vector.broadcast %broadcast_in_dim3A_275 : f32 to vector<16xf32>
    %swap3A_277 = arith.constant 96 : index
    %swap3A_278 = tpu.vector_load %arg5[%swap3A_277] {strides = array<i32>} : memref<128xf32, #tpu.memory_space<vmem>>, vector<16xf32>,
    %swap3A_279 = vector.shape_cast %swap3A_278 : vector<16xf32> to vector<16xf32>
    %swap3A_280 = vector.shape_cast %broadcast_in_dim3A_276 : vector<16xf32> to vector<16xf32>
    tpu.vector_store %arg5[%swap3A_277], %swap3A_280 {strides = array<i32>} : memref<128xf32, #tpu.memory_space<vmem>>, vector<16xf32>,
    %broadcast_in_dim3A_281 = arith.constant 1.000000e+00 : f32
    %broadcast_in_dim3A_282 = vector.broadcast %broadcast_in_dim3A_281 : f32 to vector<16xf32>
    %swap3A_283 = arith.constant 112 : index
    %swap3A_284 = tpu.vector_load %arg5[%swap3A_283] {strides = array<i32>} : memref<128xf32, #tpu.memory_space<vmem>>, vector<16xf32>,
    %swap3A_285 = vector.shape_cast %swap3A_284 : vector<16xf32> to vector<16xf32>
    %swap3A_286 = vector.shape_cast %broadcast_in_dim3A_282 : vector<16xf32> to vector<16xf32>
    tpu.vector_store %arg5[%swap3A_283], %swap3A_286 {strides = array<i32>} : memref<128xf32, #tpu.memory_space<vmem>>, vector<16xf32>,
    %mul3A_287 = arith.constant 640 : i32
    %mul3A_288 = arith.muli %arg1, %mul3A_287 : i32
    "tpu.region"() ({
      %run_scoped3A = tpu.sem_alloc : memref<!tpu.dma_semaphore, #tpu.memory_space<semaphore_mem>>
      %dma_start3A = tpu.memref_slice %arg7[%mul3A_288] : memref<10240xf32, #tpu.memory_space<vmem_shared>> -> memref<640xf32, #tpu.memory_space<vmem_shared>>
      %dma_start3A_302 = tpu.memref_slice %arg7[%mul3A_288] : memref<10240xf32, #tpu.memory_space<vmem_shared>> -> memref<640xf32, #tpu.memory_space<vmem_shared>>
      tpu.enqueue_dma source(%arg6 : memref<640xf32, #tpu.memory_space<vmem>>) target(%dma_start3A_302 : memref<640xf32, #tpu.memory_space<vmem_shared>>) target_semaphore(%run_scoped3A : memref<!tpu.dma_semaphore, #tpu.memory_space<semaphore_mem>>)
      %dma_wait3A = tpu.memref_slice %arg7[%mul3A_288] : memref<10240xf32, #tpu.memory_space<vmem_shared>> -> memref<640xf32, #tpu.memory_space<vmem_shared>>
      %dma_wait3A_303 = tpu.memref_slice %arg7[%mul3A_288] : memref<10240xf32, #tpu.memory_space<vmem_shared>> -> memref<640xf32, #tpu.memory_space<vmem_shared>>
      tpu.wait_dma2 semaphore(%run_scoped3A : memref<!tpu.dma_semaphore, #tpu.memory_space<semaphore_mem>>) src(%arg6 : memref<640xf32, #tpu.memory_space<vmem>>) dst(%dma_wait3A_303 : memref<640xf32, #tpu.memory_space<vmem_shared>>)
      tpu.yield
    }) : () -> ()
    "tpu.region"() ({
      %run_scoped3A = tpu.sem_alloc : memref<!tpu.dma_semaphore, #tpu.memory_space<semaphore_mem>>
      %dma_start3A = arith.constant 0 : i32
      %dma_start3A_302 = arith.constant 0 : i32
      %dma_start3A_303 = tpu.memref_slice %arg2[%add3A, %dma_start3A, %dma_start3A_302] : memref<32x79x128xi32, #tpu.memory_space<hbm>> -> memref<1x79x128xi32, #tpu.memory_space<hbm>>
      %dma_start3A_304 = tpu.memref_squeeze %dma_start3A_303 : memref<1x79x128xi32, #tpu.memory_space<hbm>> -> memref<79x128xi32, #tpu.memory_space<hbm>>
      %dma_start3A_305 = arith.constant 0 : i32
      %dma_start3A_306 = arith.constant 0 : i32
      %dma_start3A_307 = tpu.memref_slice %arg2[%add3A, %dma_start3A_305, %dma_start3A_306] : memref<32x79x128xi32, #tpu.memory_space<hbm>> -> memref<1x79x128xi32, #tpu.memory_space<hbm>>
      %dma_start3A_308 = tpu.memref_squeeze %dma_start3A_307 : memref<1x79x128xi32, #tpu.memory_space<hbm>> -> memref<79x128xi32, #tpu.memory_space<hbm>>
      tpu.enqueue_dma source(%dma_start3A_308 : memref<79x128xi32, #tpu.memory_space<hbm>>) target(%arg4 : memref<79x128xi32, #tpu.memory_space<vmem>>) target_semaphore(%run_scoped3A : memref<!tpu.dma_semaphore, #tpu.memory_space<semaphore_mem>>)
      %dma_wait3A = arith.constant 0 : i32
      %dma_wait3A_309 = arith.constant 0 : i32
      %dma_wait3A_310 = tpu.memref_slice %arg2[%add3A, %dma_wait3A, %dma_wait3A_309] : memref<32x79x128xi32, #tpu.memory_space<hbm>> -> memref<1x79x128xi32, #tpu.memory_space<hbm>>
      %dma_wait3A_311 = tpu.memref_squeeze %dma_wait3A_310 : memref<1x79x128xi32, #tpu.memory_space<hbm>> -> memref<79x128xi32, #tpu.memory_space<hbm>>
      %dma_wait3A_312 = arith.constant 0 : i32
      %dma_wait3A_313 = arith.constant 0 : i32
      %dma_wait3A_314 = tpu.memref_slice %arg2[%add3A, %dma_wait3A_312, %dma_wait3A_313] : memref<32x79x128xi32, #tpu.memory_space<hbm>> -> memref<1x79x128xi32, #tpu.memory_space<hbm>>
      %dma_wait3A_315 = tpu.memref_squeeze %dma_wait3A_314 : memref<1x79x128xi32, #tpu.memory_space<hbm>> -> memref<79x128xi32, #tpu.memory_space<hbm>>
      tpu.wait_dma2 semaphore(%run_scoped3A : memref<!tpu.dma_semaphore, #tpu.memory_space<semaphore_mem>>) src(%dma_wait3A_315 : memref<79x128xi32, #tpu.memory_space<hbm>>) dst(%arg4 : memref<79x128xi32, #tpu.memory_space<vmem>>)
      tpu.yield
    }) : () -> ()
    %barrier3A = arith.constant 0 : index
    tpu.barrier barrier_id(%barrier3A)
    %scan3A = arith.constant 0 : i32
    %scan3A_289 = arith.constant 0 : i32
    %scan3A_290 = arith.constant 79 : i32
    %scan3A_291 = arith.addi %scan3A_289, %scan3A_290 : i32
    %scan3A_292 = arith.constant 1 : i32
    scf.for %scan3A_302 = %scan3A_289 to %scan3A_291 step %scan3A_292  : i32 {
      "tpu.region"() ({
        %run_scoped3A = tpu.sem_alloc : memref<!tpu.dma_semaphore, #tpu.memory_space<semaphore_mem>>
        %dma_start3A = arith.constant 0 : i32
        %dma_start3A_303 = tpu.memref_slice %arg4[%scan3A_302, %dma_start3A] : memref<79x128xi32, #tpu.memory_space<vmem>> -> memref<1x128xi32, #tpu.memory_space<vmem>>
        %dma_start3A_304 = tpu.memref_squeeze %dma_start3A_303 : memref<1x128xi32, #tpu.memory_space<vmem>> -> memref<128xi32, #tpu.memory_space<vmem>>
        %dma_start3A_305 = arith.constant 0 : i32
        %dma_start3A_306 = tpu.memref_slice %arg7[%dma_start3A_305] : memref<10240xf32, #tpu.memory_space<vmem_shared>> -> memref<10240xf32, #tpu.memory_space<vmem_shared>>
        tpu.enqueue_indirect_dma source(%arg5 : memref<128xf32, #tpu.memory_space<vmem>>) target(%dma_start3A_306 : memref<10240xf32, #tpu.memory_space<vmem_shared>>) offsets(%dma_start3A_304 : memref<128xi32, #tpu.memory_space<vmem>>) semaphore(%run_scoped3A : memref<!tpu.dma_semaphore, #tpu.memory_space<semaphore_mem>>) {add = true}
        %dma_wait3A = arith.constant 0 : i32
        %dma_wait3A_307 = tpu.memref_slice %arg4[%scan3A_302, %dma_wait3A] : memref<79x128xi32, #tpu.memory_space<vmem>> -> memref<1x128xi32, #tpu.memory_space<vmem>>
        %dma_wait3A_308 = tpu.memref_squeeze %dma_wait3A_307 : memref<1x128xi32, #tpu.memory_space<vmem>> -> memref<128xi32, #tpu.memory_space<vmem>>
        %dma_wait3A_309 = arith.constant 0 : i32
        %dma_wait3A_310 = tpu.memref_slice %arg7[%dma_wait3A_309] : memref<10240xf32, #tpu.memory_space<vmem_shared>> -> memref<10240xf32, #tpu.memory_space<vmem_shared>>
        tpu.wait_indirect_dma semaphore(%run_scoped3A : memref<!tpu.dma_semaphore, #tpu.memory_space<semaphore_mem>>) src(%arg5 : memref<128xf32, #tpu.memory_space<vmem>>) dst(%dma_wait3A_310 : memref<10240xf32, #tpu.memory_space<vmem_shared>>)
        tpu.yield
      }) : () -> ()
    }
    %scan3A_293 = arith.constant 79 : i32
    %barrier3A_294 = arith.constant 0 : index
    tpu.barrier barrier_id(%barrier3A_294)
    %mul3A_295 = arith.constant 640 : i32
    %mul3A_296 = arith.muli %arg1, %mul3A_295 : i32
    %mul3A_297 = arith.constant 10240 : i32
    %mul3A_298 = arith.muli %arg0, %mul3A_297 : i32
    %mul3A_299 = arith.constant 640 : i32
    %mul3A_300 = arith.muli %arg1, %mul3A_299 : i32
    %add3A_301 = arith.addi %mul3A_298, %mul3A_300 : i32
    "tpu.region"() ({
      %run_scoped3A = tpu.sem_alloc : memref<!tpu.dma_semaphore, #tpu.memory_space<semaphore_mem>>
      %dma_start3A = tpu.memref_slice %arg3[%add3A_301] : memref<20480xf32, #tpu.memory_space<hbm>> -> memref<640xf32, #tpu.memory_space<hbm>>
      %dma_start3A_302 = tpu.memref_slice %arg7[%mul3A_296] : memref<10240xf32, #tpu.memory_space<vmem_shared>> -> memref<640xf32, #tpu.memory_space<vmem_shared>>
      tpu.enqueue_dma source(%dma_start3A_302 : memref<640xf32, #tpu.memory_space<vmem_shared>>) target(%dma_start3A : memref<640xf32, #tpu.memory_space<hbm>>) target_semaphore(%run_scoped3A : memref<!tpu.dma_semaphore, #tpu.memory_space<semaphore_mem>>)
      %dma_wait3A = tpu.memref_slice %arg3[%add3A_301] : memref<20480xf32, #tpu.memory_space<hbm>> -> memref<640xf32, #tpu.memory_space<hbm>>
      %dma_wait3A_303 = tpu.memref_slice %arg7[%mul3A_296] : memref<10240xf32, #tpu.memory_space<vmem_shared>> -> memref<640xf32, #tpu.memory_space<vmem_shared>>
      tpu.wait_dma2 semaphore(%run_scoped3A : memref<!tpu.dma_semaphore, #tpu.memory_space<semaphore_mem>>) src(%dma_wait3A_303 : memref<640xf32, #tpu.memory_space<vmem_shared>>) dst(%dma_wait3A : memref<640xf32, #tpu.memory_space<hbm>>)
      tpu.yield
    }) : () -> ()
    return
  }
}

#map = affine_map<(d0, d1) -> (0, 0)>
#map1 = affine_map<(d0, d1) -> (0, 0, 0)>
module attributes {stable_mosaic.version = 14 : i64} {
  func.func @_scatter_sc(%arg0: i32, %arg1: i32, %arg2: memref<10240x128xf32, #tpu.memory_space<hbm>>, %arg3: memref<32x79x128xi32, #tpu.memory_space<hbm>>, %arg4: memref<32x79x128xi32, #tpu.memory_space<hbm>>, %arg5: memref<2x10240x128xf32, #tpu.memory_space<hbm>>, %arg6: memref<79x128xi32, #tpu.memory_space<vmem>>, %arg7: memref<79x128xi32, #tpu.memory_space<vmem>>, %arg8: memref<128x128xf32, #tpu.memory_space<vmem>>, %arg9: memref<!tpu.dma_semaphore, #tpu.memory_space<semaphore_mem>>, %arg10: memref<10240x128xf32, #tpu.memory_space<vmem_shared>>) attributes {dimension_semantics = [#tpu.dimension_semantics<core_parallel>, #tpu.dimension_semantics<subcore_parallel>], iteration_bounds = array<i64: 2, 16>, scalar_prefetch = 0 : i64, scratch_operands = 5 : i64, tpu.core_type = #tpu.core_type<sc_vector_subcore>, window_params = [{transform_indices = #map}, {transform_indices = #map1}, {transform_indices = #map1}, {transform_indices = #map1}]} {
    %mul3A = arith.constant 16 : i32
    %mul3A_0 = arith.muli %arg0, %mul3A : i32
    %add3A = arith.addi %mul3A_0, %arg1 : i32
    "tpu.region"() ({
      %run_scoped3A = tpu.sem_alloc : memref<!tpu.dma_semaphore, #tpu.memory_space<semaphore_mem>>
      %dma_start3A = arith.constant 0 : i32
      %dma_start3A_18 = arith.constant 0 : i32
      %dma_start3A_19 = tpu.memref_slice %arg3[%add3A, %dma_start3A, %dma_start3A_18] : memref<32x79x128xi32, #tpu.memory_space<hbm>> -> memref<1x79x128xi32, #tpu.memory_space<hbm>>
      %dma_start3A_20 = tpu.memref_squeeze %dma_start3A_19 : memref<1x79x128xi32, #tpu.memory_space<hbm>> -> memref<79x128xi32, #tpu.memory_space<hbm>>
      %dma_start3A_21 = arith.constant 0 : i32
      %dma_start3A_22 = arith.constant 0 : i32
      %dma_start3A_23 = tpu.memref_slice %arg3[%add3A, %dma_start3A_21, %dma_start3A_22] : memref<32x79x128xi32, #tpu.memory_space<hbm>> -> memref<1x79x128xi32, #tpu.memory_space<hbm>>
      %dma_start3A_24 = tpu.memref_squeeze %dma_start3A_23 : memref<1x79x128xi32, #tpu.memory_space<hbm>> -> memref<79x128xi32, #tpu.memory_space<hbm>>
      tpu.enqueue_dma source(%dma_start3A_24 : memref<79x128xi32, #tpu.memory_space<hbm>>) target(%arg6 : memref<79x128xi32, #tpu.memory_space<vmem>>) target_semaphore(%run_scoped3A : memref<!tpu.dma_semaphore, #tpu.memory_space<semaphore_mem>>)
      %dma_wait3A = arith.constant 0 : i32
      %dma_wait3A_25 = arith.constant 0 : i32
      %dma_wait3A_26 = tpu.memref_slice %arg3[%add3A, %dma_wait3A, %dma_wait3A_25] : memref<32x79x128xi32, #tpu.memory_space<hbm>> -> memref<1x79x128xi32, #tpu.memory_space<hbm>>
      %dma_wait3A_27 = tpu.memref_squeeze %dma_wait3A_26 : memref<1x79x128xi32, #tpu.memory_space<hbm>> -> memref<79x128xi32, #tpu.memory_space<hbm>>
      %dma_wait3A_28 = arith.constant 0 : i32
      %dma_wait3A_29 = arith.constant 0 : i32
      %dma_wait3A_30 = tpu.memref_slice %arg3[%add3A, %dma_wait3A_28, %dma_wait3A_29] : memref<32x79x128xi32, #tpu.memory_space<hbm>> -> memref<1x79x128xi32, #tpu.memory_space<hbm>>
      %dma_wait3A_31 = tpu.memref_squeeze %dma_wait3A_30 : memref<1x79x128xi32, #tpu.memory_space<hbm>> -> memref<79x128xi32, #tpu.memory_space<hbm>>
      tpu.wait_dma2 semaphore(%run_scoped3A : memref<!tpu.dma_semaphore, #tpu.memory_space<semaphore_mem>>) src(%dma_wait3A_31 : memref<79x128xi32, #tpu.memory_space<hbm>>) dst(%arg6 : memref<79x128xi32, #tpu.memory_space<vmem>>)
      tpu.yield
    }) : () -> ()
    "tpu.region"() ({
      %run_scoped3A = tpu.sem_alloc : memref<!tpu.dma_semaphore, #tpu.memory_space<semaphore_mem>>
      %dma_start3A = arith.constant 0 : i32
      %dma_start3A_18 = arith.constant 0 : i32
      %dma_start3A_19 = tpu.memref_slice %arg4[%add3A, %dma_start3A, %dma_start3A_18] : memref<32x79x128xi32, #tpu.memory_space<hbm>> -> memref<1x79x128xi32, #tpu.memory_space<hbm>>
      %dma_start3A_20 = tpu.memref_squeeze %dma_start3A_19 : memref<1x79x128xi32, #tpu.memory_space<hbm>> -> memref<79x128xi32, #tpu.memory_space<hbm>>
      %dma_start3A_21 = arith.constant 0 : i32
      %dma_start3A_22 = arith.constant 0 : i32
      %dma_start3A_23 = tpu.memref_slice %arg4[%add3A, %dma_start3A_21, %dma_start3A_22] : memref<32x79x128xi32, #tpu.memory_space<hbm>> -> memref<1x79x128xi32, #tpu.memory_space<hbm>>
      %dma_start3A_24 = tpu.memref_squeeze %dma_start3A_23 : memref<1x79x128xi32, #tpu.memory_space<hbm>> -> memref<79x128xi32, #tpu.memory_space<hbm>>
      tpu.enqueue_dma source(%dma_start3A_24 : memref<79x128xi32, #tpu.memory_space<hbm>>) target(%arg7 : memref<79x128xi32, #tpu.memory_space<vmem>>) target_semaphore(%run_scoped3A : memref<!tpu.dma_semaphore, #tpu.memory_space<semaphore_mem>>)
      %dma_wait3A = arith.constant 0 : i32
      %dma_wait3A_25 = arith.constant 0 : i32
      %dma_wait3A_26 = tpu.memref_slice %arg4[%add3A, %dma_wait3A, %dma_wait3A_25] : memref<32x79x128xi32, #tpu.memory_space<hbm>> -> memref<1x79x128xi32, #tpu.memory_space<hbm>>
      %dma_wait3A_27 = tpu.memref_squeeze %dma_wait3A_26 : memref<1x79x128xi32, #tpu.memory_space<hbm>> -> memref<79x128xi32, #tpu.memory_space<hbm>>
      %dma_wait3A_28 = arith.constant 0 : i32
      %dma_wait3A_29 = arith.constant 0 : i32
      %dma_wait3A_30 = tpu.memref_slice %arg4[%add3A, %dma_wait3A_28, %dma_wait3A_29] : memref<32x79x128xi32, #tpu.memory_space<hbm>> -> memref<1x79x128xi32, #tpu.memory_space<hbm>>
      %dma_wait3A_31 = tpu.memref_squeeze %dma_wait3A_30 : memref<1x79x128xi32, #tpu.memory_space<hbm>> -> memref<79x128xi32, #tpu.memory_space<hbm>>
      tpu.wait_dma2 semaphore(%run_scoped3A : memref<!tpu.dma_semaphore, #tpu.memory_space<semaphore_mem>>) src(%dma_wait3A_31 : memref<79x128xi32, #tpu.memory_space<hbm>>) dst(%arg7 : memref<79x128xi32, #tpu.memory_space<vmem>>)
      tpu.yield
    }) : () -> ()
    %eq3A = arith.constant 0 : i32
    %eq3A_1 = arith.cmpi eq, %arg0, %eq3A : i32
    %convert_element_type3A = arith.extui %eq3A_1 : i1 to i32
    %cond3A = arith.constant 0 : i32
    %cond3A_2 = arith.cmpi ne, %convert_element_type3A, %cond3A : i32
    scf.if %cond3A_2 {
      %mul3A_18 = arith.constant 640 : i32
      %mul3A_19 = arith.muli %arg1, %mul3A_18 : i32
      %mul3A_20 = arith.constant 640 : i32
      %mul3A_21 = arith.muli %arg1, %mul3A_20 : i32
      "tpu.region"() ({
        %run_scoped3A = tpu.sem_alloc : memref<!tpu.dma_semaphore, #tpu.memory_space<semaphore_mem>>
        %dma_start3A = arith.constant 0 : i32
        %dma_start3A_22 = tpu.memref_slice %arg10[%mul3A_21, %dma_start3A] : memref<10240x128xf32, #tpu.memory_space<vmem_shared>> -> memref<640x128xf32, #tpu.memory_space<vmem_shared>>
        %dma_start3A_23 = arith.constant 0 : i32
        %dma_start3A_24 = tpu.memref_slice %arg2[%mul3A_19, %dma_start3A_23] : memref<10240x128xf32, #tpu.memory_space<hbm>> -> memref<640x128xf32, #tpu.memory_space<hbm>>
        tpu.enqueue_dma source(%dma_start3A_24 : memref<640x128xf32, #tpu.memory_space<hbm>>) target(%dma_start3A_22 : memref<640x128xf32, #tpu.memory_space<vmem_shared>>) target_semaphore(%run_scoped3A : memref<!tpu.dma_semaphore, #tpu.memory_space<semaphore_mem>>)
        %dma_wait3A = arith.constant 0 : i32
        %dma_wait3A_25 = tpu.memref_slice %arg10[%mul3A_21, %dma_wait3A] : memref<10240x128xf32, #tpu.memory_space<vmem_shared>> -> memref<640x128xf32, #tpu.memory_space<vmem_shared>>
        %dma_wait3A_26 = arith.constant 0 : i32
        %dma_wait3A_27 = tpu.memref_slice %arg2[%mul3A_19, %dma_wait3A_26] : memref<10240x128xf32, #tpu.memory_space<hbm>> -> memref<640x128xf32, #tpu.memory_space<hbm>>
        tpu.wait_dma2 semaphore(%run_scoped3A : memref<!tpu.dma_semaphore, #tpu.memory_space<semaphore_mem>>) src(%dma_wait3A_27 : memref<640x128xf32, #tpu.memory_space<hbm>>) dst(%dma_wait3A_25 : memref<640x128xf32, #tpu.memory_space<vmem_shared>>)
        tpu.yield
      }) : () -> ()
    } else {
    }
    %eq3A_3 = arith.constant 1 : i32
    %eq3A_4 = arith.cmpi eq, %arg0, %eq3A_3 : i32
    %convert_element_type3A_5 = arith.extui %eq3A_4 : i1 to i32
    %cond3A_6 = arith.constant 0 : i32
    %cond3A_7 = arith.cmpi ne, %convert_element_type3A_5, %cond3A_6 : i32
    scf.if %cond3A_7 {
      %scan3A_18 = arith.constant 0 : i32
      %scan3A_19 = arith.constant 0 : i32
      %scan3A_20 = arith.constant 1024 : i32
      %scan3A_21 = arith.addi %scan3A_19, %scan3A_20 : i32
      %scan3A_22 = arith.constant 1 : i32
      scf.for %scan3A_44 = %scan3A_19 to %scan3A_21 step %scan3A_22  : i32 {
        %broadcast_in_dim3A = arith.constant 0.000000e+00 : f32
        %broadcast_in_dim3A_45 = vector.broadcast %broadcast_in_dim3A : f32 to vector<16xf32>
        %jit3A = arith.constant 8 : i32
        %div3A = arith.divsi %scan3A_44, %jit3A : i32
        %sign3A = arith.constant 0 : i32
        %sign3A_46 = arith.cmpi sgt, %scan3A_44, %sign3A : i32
        %sign3A_47 = arith.extui %sign3A_46 : i1 to i32
        %sign3A_48 = arith.constant 0 : i32
        %sign3A_49 = arith.cmpi slt, %scan3A_44, %sign3A_48 : i32
        %sign3A_50 = arith.extui %sign3A_49 : i1 to i32
        %sign3A_51 = arith.subi %sign3A_47, %sign3A_50 : i32
        %sign3A_52 = arith.constant 0 : i32
        %sign3A_53 = arith.cmpi sgt, %jit3A, %sign3A_52 : i32
        %sign3A_54 = arith.extui %sign3A_53 : i1 to i32
        %sign3A_55 = arith.constant 0 : i32
        %sign3A_56 = arith.cmpi slt, %jit3A, %sign3A_55 : i32
        %sign3A_57 = arith.extui %sign3A_56 : i1 to i32
        %sign3A_58 = arith.subi %sign3A_54, %sign3A_57 : i32
        %ne3A = arith.cmpi ne, %sign3A_51, %sign3A_58 : i32
        %rem3A = arith.remsi %scan3A_44, %jit3A : i32
        %ne3A_59 = arith.constant 0 : i32
        %ne3A_60 = arith.cmpi ne, %rem3A, %ne3A_59 : i32
        %and3A = arith.andi %ne3A, %ne3A_60 : i1
        %sub3A = arith.constant 1 : i32
        %sub3A_61 = arith.subi %div3A, %sub3A : i32
        %select_n3A = arith.select %and3A, %sub3A_61, %div3A : i32
        %jit3A_62 = arith.constant 8 : i32
        %eq3A_63 = arith.constant 0 : i32
        %eq3A_64 = arith.cmpi eq, %jit3A_62, %eq3A_63 : i32
        %jit3A_65 = arith.constant 1 : i32
        %select_n3A_66 = arith.select %eq3A_64, %jit3A_65, %jit3A_62 : i32
        %rem3A_67 = arith.remsi %scan3A_44, %select_n3A_66 : i32
        %ne3A_68 = arith.constant 0 : i32
        %ne3A_69 = arith.cmpi ne, %rem3A_67, %ne3A_68 : i32
        %lt3A = arith.constant 0 : i32
        %lt3A_70 = arith.cmpi slt, %rem3A_67, %lt3A : i32
        %lt3A_71 = arith.constant 0 : i32
        %lt3A_72 = arith.cmpi slt, %select_n3A_66, %lt3A_71 : i32
        %ne3A_73 = arith.xori %lt3A_70, %lt3A_72 : i1
        %and3A_74 = arith.andi %ne3A_73, %ne3A_69 : i1
        %add3A_75 = arith.addi %rem3A_67, %select_n3A_66 : i32
        %select_n3A_76 = arith.select %and3A_74, %add3A_75, %rem3A_67 : i32
        %mul3A_77 = arith.constant 16 : i32
        %mul3A_78 = arith.muli %select_n3A_76, %mul3A_77 : i32
        %swap3A = arith.index_cast %select_n3A : i32 to index
        %swap3A_79 = arith.index_cast %mul3A_78 : i32 to index
        %swap3A_80 = tpu.vector_load %arg8[%swap3A, %swap3A_79] {strides = array<i32>} : memref<128x128xf32, #tpu.memory_space<vmem>>, vector<1x16xf32>,
        %swap3A_81 = vector.shape_cast %swap3A_80 : vector<1x16xf32> to vector<16xf32>
        %swap3A_82 = vector.shape_cast %broadcast_in_dim3A_45 : vector<16xf32> to vector<1x16xf32>
        tpu.vector_store %arg8[%swap3A, %swap3A_79], %swap3A_82 {strides = array<i32>} : memref<128x128xf32, #tpu.memory_space<vmem>>, vector<1x16xf32>,
      }
      %scan3A_23 = arith.constant 1024 : i32
      %mul3A_24 = arith.constant 640 : i32
      %mul3A_25 = arith.muli %arg1, %mul3A_24 : i32
      %add3A_26 = arith.constant 0 : i32
      %add3A_27 = arith.addi %mul3A_25, %add3A_26 : i32
      "tpu.region"() ({
        %run_scoped3A = tpu.sem_alloc : memref<!tpu.dma_semaphore, #tpu.memory_space<semaphore_mem>>
        %dma_start3A = arith.constant 0 : i32
        %dma_start3A_44 = arith.constant 0 : i32
        %dma_start3A_45 = tpu.memref_slice %arg8[%dma_start3A, %dma_start3A_44] : memref<128x128xf32, #tpu.memory_space<vmem>> -> memref<128x128xf32, #tpu.memory_space<vmem>>
        %dma_start3A_46 = arith.constant 0 : i32
        %dma_start3A_47 = tpu.memref_slice %arg10[%add3A_27, %dma_start3A_46] : memref<10240x128xf32, #tpu.memory_space<vmem_shared>> -> memref<128x128xf32, #tpu.memory_space<vmem_shared>>
        %dma_start3A_48 = arith.constant 0 : i32
        %dma_start3A_49 = tpu.memref_slice %arg10[%add3A_27, %dma_start3A_48] : memref<10240x128xf32, #tpu.memory_space<vmem_shared>> -> memref<128x128xf32, #tpu.memory_space<vmem_shared>>
        %dma_start3A_50 = arith.constant 0 : i32
        %dma_start3A_51 = arith.constant 0 : i32
        %dma_start3A_52 = tpu.memref_slice %arg8[%dma_start3A_50, %dma_start3A_51] : memref<128x128xf32, #tpu.memory_space<vmem>> -> memref<128x128xf32, #tpu.memory_space<vmem>>
        tpu.enqueue_dma source(%dma_start3A_52 : memref<128x128xf32, #tpu.memory_space<vmem>>) target(%dma_start3A_49 : memref<128x128xf32, #tpu.memory_space<vmem_shared>>) target_semaphore(%run_scoped3A : memref<!tpu.dma_semaphore, #tpu.memory_space<semaphore_mem>>)
        %dma_wait3A = arith.constant 0 : i32
        %dma_wait3A_53 = arith.constant 0 : i32
        %dma_wait3A_54 = tpu.memref_slice %arg8[%dma_wait3A, %dma_wait3A_53] : memref<128x128xf32, #tpu.memory_space<vmem>> -> memref<128x128xf32, #tpu.memory_space<vmem>>
        %dma_wait3A_55 = arith.constant 0 : i32
        %dma_wait3A_56 = tpu.memref_slice %arg10[%add3A_27, %dma_wait3A_55] : memref<10240x128xf32, #tpu.memory_space<vmem_shared>> -> memref<128x128xf32, #tpu.memory_space<vmem_shared>>
        %dma_wait3A_57 = arith.constant 0 : i32
        %dma_wait3A_58 = tpu.memref_slice %arg10[%add3A_27, %dma_wait3A_57] : memref<10240x128xf32, #tpu.memory_space<vmem_shared>> -> memref<128x128xf32, #tpu.memory_space<vmem_shared>>
        %dma_wait3A_59 = arith.constant 0 : i32
        %dma_wait3A_60 = arith.constant 0 : i32
        %dma_wait3A_61 = tpu.memref_slice %arg8[%dma_wait3A_59, %dma_wait3A_60] : memref<128x128xf32, #tpu.memory_space<vmem>> -> memref<128x128xf32, #tpu.memory_space<vmem>>
        tpu.wait_dma2 semaphore(%run_scoped3A : memref<!tpu.dma_semaphore, #tpu.memory_space<semaphore_mem>>) src(%dma_wait3A_61 : memref<128x128xf32, #tpu.memory_space<vmem>>) dst(%dma_wait3A_58 : memref<128x128xf32, #tpu.memory_space<vmem_shared>>)
        tpu.yield
      }) : () -> ()
      %mul3A_28 = arith.constant 640 : i32
      %mul3A_29 = arith.muli %arg1, %mul3A_28 : i32
      %add3A_30 = arith.constant 128 : i32
      %add3A_31 = arith.addi %mul3A_29, %add3A_30 : i32
      "tpu.region"() ({
        %run_scoped3A = tpu.sem_alloc : memref<!tpu.dma_semaphore, #tpu.memory_space<semaphore_mem>>
        %dma_start3A = arith.constant 0 : i32
        %dma_start3A_44 = arith.constant 0 : i32
        %dma_start3A_45 = tpu.memref_slice %arg8[%dma_start3A, %dma_start3A_44] : memref<128x128xf32, #tpu.memory_space<vmem>> -> memref<128x128xf32, #tpu.memory_space<vmem>>
        %dma_start3A_46 = arith.constant 0 : i32
        %dma_start3A_47 = tpu.memref_slice %arg10[%add3A_31, %dma_start3A_46] : memref<10240x128xf32, #tpu.memory_space<vmem_shared>> -> memref<128x128xf32, #tpu.memory_space<vmem_shared>>
        %dma_start3A_48 = arith.constant 0 : i32
        %dma_start3A_49 = tpu.memref_slice %arg10[%add3A_31, %dma_start3A_48] : memref<10240x128xf32, #tpu.memory_space<vmem_shared>> -> memref<128x128xf32, #tpu.memory_space<vmem_shared>>
        %dma_start3A_50 = arith.constant 0 : i32
        %dma_start3A_51 = arith.constant 0 : i32
        %dma_start3A_52 = tpu.memref_slice %arg8[%dma_start3A_50, %dma_start3A_51] : memref<128x128xf32, #tpu.memory_space<vmem>> -> memref<128x128xf32, #tpu.memory_space<vmem>>
        tpu.enqueue_dma source(%dma_start3A_52 : memref<128x128xf32, #tpu.memory_space<vmem>>) target(%dma_start3A_49 : memref<128x128xf32, #tpu.memory_space<vmem_shared>>) target_semaphore(%run_scoped3A : memref<!tpu.dma_semaphore, #tpu.memory_space<semaphore_mem>>)
        %dma_wait3A = arith.constant 0 : i32
        %dma_wait3A_53 = arith.constant 0 : i32
        %dma_wait3A_54 = tpu.memref_slice %arg8[%dma_wait3A, %dma_wait3A_53] : memref<128x128xf32, #tpu.memory_space<vmem>> -> memref<128x128xf32, #tpu.memory_space<vmem>>
        %dma_wait3A_55 = arith.constant 0 : i32
        %dma_wait3A_56 = tpu.memref_slice %arg10[%add3A_31, %dma_wait3A_55] : memref<10240x128xf32, #tpu.memory_space<vmem_shared>> -> memref<128x128xf32, #tpu.memory_space<vmem_shared>>
        %dma_wait3A_57 = arith.constant 0 : i32
        %dma_wait3A_58 = tpu.memref_slice %arg10[%add3A_31, %dma_wait3A_57] : memref<10240x128xf32, #tpu.memory_space<vmem_shared>> -> memref<128x128xf32, #tpu.memory_space<vmem_shared>>
        %dma_wait3A_59 = arith.constant 0 : i32
        %dma_wait3A_60 = arith.constant 0 : i32
        %dma_wait3A_61 = tpu.memref_slice %arg8[%dma_wait3A_59, %dma_wait3A_60] : memref<128x128xf32, #tpu.memory_space<vmem>> -> memref<128x128xf32, #tpu.memory_space<vmem>>
        tpu.wait_dma2 semaphore(%run_scoped3A : memref<!tpu.dma_semaphore, #tpu.memory_space<semaphore_mem>>) src(%dma_wait3A_61 : memref<128x128xf32, #tpu.memory_space<vmem>>) dst(%dma_wait3A_58 : memref<128x128xf32, #tpu.memory_space<vmem_shared>>)
        tpu.yield
      }) : () -> ()
      %mul3A_32 = arith.constant 640 : i32
      %mul3A_33 = arith.muli %arg1, %mul3A_32 : i32
      %add3A_34 = arith.constant 256 : i32
      %add3A_35 = arith.addi %mul3A_33, %add3A_34 : i32
      "tpu.region"() ({
        %run_scoped3A = tpu.sem_alloc : memref<!tpu.dma_semaphore, #tpu.memory_space<semaphore_mem>>
        %dma_start3A = arith.constant 0 : i32
        %dma_start3A_44 = arith.constant 0 : i32
        %dma_start3A_45 = tpu.memref_slice %arg8[%dma_start3A, %dma_start3A_44] : memref<128x128xf32, #tpu.memory_space<vmem>> -> memref<128x128xf32, #tpu.memory_space<vmem>>
        %dma_start3A_46 = arith.constant 0 : i32
        %dma_start3A_47 = tpu.memref_slice %arg10[%add3A_35, %dma_start3A_46] : memref<10240x128xf32, #tpu.memory_space<vmem_shared>> -> memref<128x128xf32, #tpu.memory_space<vmem_shared>>
        %dma_start3A_48 = arith.constant 0 : i32
        %dma_start3A_49 = tpu.memref_slice %arg10[%add3A_35, %dma_start3A_48] : memref<10240x128xf32, #tpu.memory_space<vmem_shared>> -> memref<128x128xf32, #tpu.memory_space<vmem_shared>>
        %dma_start3A_50 = arith.constant 0 : i32
        %dma_start3A_51 = arith.constant 0 : i32
        %dma_start3A_52 = tpu.memref_slice %arg8[%dma_start3A_50, %dma_start3A_51] : memref<128x128xf32, #tpu.memory_space<vmem>> -> memref<128x128xf32, #tpu.memory_space<vmem>>
        tpu.enqueue_dma source(%dma_start3A_52 : memref<128x128xf32, #tpu.memory_space<vmem>>) target(%dma_start3A_49 : memref<128x128xf32, #tpu.memory_space<vmem_shared>>) target_semaphore(%run_scoped3A : memref<!tpu.dma_semaphore, #tpu.memory_space<semaphore_mem>>)
        %dma_wait3A = arith.constant 0 : i32
        %dma_wait3A_53 = arith.constant 0 : i32
        %dma_wait3A_54 = tpu.memref_slice %arg8[%dma_wait3A, %dma_wait3A_53] : memref<128x128xf32, #tpu.memory_space<vmem>> -> memref<128x128xf32, #tpu.memory_space<vmem>>
        %dma_wait3A_55 = arith.constant 0 : i32
        %dma_wait3A_56 = tpu.memref_slice %arg10[%add3A_35, %dma_wait3A_55] : memref<10240x128xf32, #tpu.memory_space<vmem_shared>> -> memref<128x128xf32, #tpu.memory_space<vmem_shared>>
        %dma_wait3A_57 = arith.constant 0 : i32
        %dma_wait3A_58 = tpu.memref_slice %arg10[%add3A_35, %dma_wait3A_57] : memref<10240x128xf32, #tpu.memory_space<vmem_shared>> -> memref<128x128xf32, #tpu.memory_space<vmem_shared>>
        %dma_wait3A_59 = arith.constant 0 : i32
        %dma_wait3A_60 = arith.constant 0 : i32
        %dma_wait3A_61 = tpu.memref_slice %arg8[%dma_wait3A_59, %dma_wait3A_60] : memref<128x128xf32, #tpu.memory_space<vmem>> -> memref<128x128xf32, #tpu.memory_space<vmem>>
        tpu.wait_dma2 semaphore(%run_scoped3A : memref<!tpu.dma_semaphore, #tpu.memory_space<semaphore_mem>>) src(%dma_wait3A_61 : memref<128x128xf32, #tpu.memory_space<vmem>>) dst(%dma_wait3A_58 : memref<128x128xf32, #tpu.memory_space<vmem_shared>>)
        tpu.yield
      }) : () -> ()
      %mul3A_36 = arith.constant 640 : i32
      %mul3A_37 = arith.muli %arg1, %mul3A_36 : i32
      %add3A_38 = arith.constant 384 : i32
      %add3A_39 = arith.addi %mul3A_37, %add3A_38 : i32
      "tpu.region"() ({
        %run_scoped3A = tpu.sem_alloc : memref<!tpu.dma_semaphore, #tpu.memory_space<semaphore_mem>>
        %dma_start3A = arith.constant 0 : i32
        %dma_start3A_44 = arith.constant 0 : i32
        %dma_start3A_45 = tpu.memref_slice %arg8[%dma_start3A, %dma_start3A_44] : memref<128x128xf32, #tpu.memory_space<vmem>> -> memref<128x128xf32, #tpu.memory_space<vmem>>
        %dma_start3A_46 = arith.constant 0 : i32
        %dma_start3A_47 = tpu.memref_slice %arg10[%add3A_39, %dma_start3A_46] : memref<10240x128xf32, #tpu.memory_space<vmem_shared>> -> memref<128x128xf32, #tpu.memory_space<vmem_shared>>
        %dma_start3A_48 = arith.constant 0 : i32
        %dma_start3A_49 = tpu.memref_slice %arg10[%add3A_39, %dma_start3A_48] : memref<10240x128xf32, #tpu.memory_space<vmem_shared>> -> memref<128x128xf32, #tpu.memory_space<vmem_shared>>
        %dma_start3A_50 = arith.constant 0 : i32
        %dma_start3A_51 = arith.constant 0 : i32
        %dma_start3A_52 = tpu.memref_slice %arg8[%dma_start3A_50, %dma_start3A_51] : memref<128x128xf32, #tpu.memory_space<vmem>> -> memref<128x128xf32, #tpu.memory_space<vmem>>
        tpu.enqueue_dma source(%dma_start3A_52 : memref<128x128xf32, #tpu.memory_space<vmem>>) target(%dma_start3A_49 : memref<128x128xf32, #tpu.memory_space<vmem_shared>>) target_semaphore(%run_scoped3A : memref<!tpu.dma_semaphore, #tpu.memory_space<semaphore_mem>>)
        %dma_wait3A = arith.constant 0 : i32
        %dma_wait3A_53 = arith.constant 0 : i32
        %dma_wait3A_54 = tpu.memref_slice %arg8[%dma_wait3A, %dma_wait3A_53] : memref<128x128xf32, #tpu.memory_space<vmem>> -> memref<128x128xf32, #tpu.memory_space<vmem>>
        %dma_wait3A_55 = arith.constant 0 : i32
        %dma_wait3A_56 = tpu.memref_slice %arg10[%add3A_39, %dma_wait3A_55] : memref<10240x128xf32, #tpu.memory_space<vmem_shared>> -> memref<128x128xf32, #tpu.memory_space<vmem_shared>>
        %dma_wait3A_57 = arith.constant 0 : i32
        %dma_wait3A_58 = tpu.memref_slice %arg10[%add3A_39, %dma_wait3A_57] : memref<10240x128xf32, #tpu.memory_space<vmem_shared>> -> memref<128x128xf32, #tpu.memory_space<vmem_shared>>
        %dma_wait3A_59 = arith.constant 0 : i32
        %dma_wait3A_60 = arith.constant 0 : i32
        %dma_wait3A_61 = tpu.memref_slice %arg8[%dma_wait3A_59, %dma_wait3A_60] : memref<128x128xf32, #tpu.memory_space<vmem>> -> memref<128x128xf32, #tpu.memory_space<vmem>>
        tpu.wait_dma2 semaphore(%run_scoped3A : memref<!tpu.dma_semaphore, #tpu.memory_space<semaphore_mem>>) src(%dma_wait3A_61 : memref<128x128xf32, #tpu.memory_space<vmem>>) dst(%dma_wait3A_58 : memref<128x128xf32, #tpu.memory_space<vmem_shared>>)
        tpu.yield
      }) : () -> ()
      %mul3A_40 = arith.constant 640 : i32
      %mul3A_41 = arith.muli %arg1, %mul3A_40 : i32
      %add3A_42 = arith.constant 512 : i32
      %add3A_43 = arith.addi %mul3A_41, %add3A_42 : i32
      "tpu.region"() ({
        %run_scoped3A = tpu.sem_alloc : memref<!tpu.dma_semaphore, #tpu.memory_space<semaphore_mem>>
        %dma_start3A = arith.constant 0 : i32
        %dma_start3A_44 = arith.constant 0 : i32
        %dma_start3A_45 = tpu.memref_slice %arg8[%dma_start3A, %dma_start3A_44] : memref<128x128xf32, #tpu.memory_space<vmem>> -> memref<128x128xf32, #tpu.memory_space<vmem>>
        %dma_start3A_46 = arith.constant 0 : i32
        %dma_start3A_47 = tpu.memref_slice %arg10[%add3A_43, %dma_start3A_46] : memref<10240x128xf32, #tpu.memory_space<vmem_shared>> -> memref<128x128xf32, #tpu.memory_space<vmem_shared>>
        %dma_start3A_48 = arith.constant 0 : i32
        %dma_start3A_49 = tpu.memref_slice %arg10[%add3A_43, %dma_start3A_48] : memref<10240x128xf32, #tpu.memory_space<vmem_shared>> -> memref<128x128xf32, #tpu.memory_space<vmem_shared>>
        %dma_start3A_50 = arith.constant 0 : i32
        %dma_start3A_51 = arith.constant 0 : i32
        %dma_start3A_52 = tpu.memref_slice %arg8[%dma_start3A_50, %dma_start3A_51] : memref<128x128xf32, #tpu.memory_space<vmem>> -> memref<128x128xf32, #tpu.memory_space<vmem>>
        tpu.enqueue_dma source(%dma_start3A_52 : memref<128x128xf32, #tpu.memory_space<vmem>>) target(%dma_start3A_49 : memref<128x128xf32, #tpu.memory_space<vmem_shared>>) target_semaphore(%run_scoped3A : memref<!tpu.dma_semaphore, #tpu.memory_space<semaphore_mem>>)
        %dma_wait3A = arith.constant 0 : i32
        %dma_wait3A_53 = arith.constant 0 : i32
        %dma_wait3A_54 = tpu.memref_slice %arg8[%dma_wait3A, %dma_wait3A_53] : memref<128x128xf32, #tpu.memory_space<vmem>> -> memref<128x128xf32, #tpu.memory_space<vmem>>
        %dma_wait3A_55 = arith.constant 0 : i32
        %dma_wait3A_56 = tpu.memref_slice %arg10[%add3A_43, %dma_wait3A_55] : memref<10240x128xf32, #tpu.memory_space<vmem_shared>> -> memref<128x128xf32, #tpu.memory_space<vmem_shared>>
        %dma_wait3A_57 = arith.constant 0 : i32
        %dma_wait3A_58 = tpu.memref_slice %arg10[%add3A_43, %dma_wait3A_57] : memref<10240x128xf32, #tpu.memory_space<vmem_shared>> -> memref<128x128xf32, #tpu.memory_space<vmem_shared>>
        %dma_wait3A_59 = arith.constant 0 : i32
        %dma_wait3A_60 = arith.constant 0 : i32
        %dma_wait3A_61 = tpu.memref_slice %arg8[%dma_wait3A_59, %dma_wait3A_60] : memref<128x128xf32, #tpu.memory_space<vmem>> -> memref<128x128xf32, #tpu.memory_space<vmem>>
        tpu.wait_dma2 semaphore(%run_scoped3A : memref<!tpu.dma_semaphore, #tpu.memory_space<semaphore_mem>>) src(%dma_wait3A_61 : memref<128x128xf32, #tpu.memory_space<vmem>>) dst(%dma_wait3A_58 : memref<128x128xf32, #tpu.memory_space<vmem_shared>>)
        tpu.yield
      }) : () -> ()
    } else {
    }
    %barrier3A = arith.constant 0 : index
    tpu.barrier barrier_id(%barrier3A)
    %scan3A = arith.constant 0 : i32
    %scan3A_8 = arith.constant 0 : i32
    %scan3A_9 = arith.constant 79 : i32
    %scan3A_10 = arith.addi %scan3A_8, %scan3A_9 : i32
    %scan3A_11 = arith.constant 1 : i32
    scf.for %scan3A_18 = %scan3A_8 to %scan3A_10 step %scan3A_11  : i32 {
      %dma_start3A = arith.constant 0 : i32
      %dma_start3A_19 = tpu.memref_slice %arg6[%scan3A_18, %dma_start3A] : memref<79x128xi32, #tpu.memory_space<vmem>> -> memref<1x128xi32, #tpu.memory_space<vmem>>
      %dma_start3A_20 = tpu.memref_squeeze %dma_start3A_19 : memref<1x128xi32, #tpu.memory_space<vmem>> -> memref<128xi32, #tpu.memory_space<vmem>>
      %dma_start3A_21 = arith.constant 0 : i32
      %dma_start3A_22 = arith.constant 0 : i32
      %dma_start3A_23 = tpu.memref_slice %arg2[%dma_start3A_21, %dma_start3A_22] : memref<10240x128xf32, #tpu.memory_space<hbm>> -> memref<10240x128xf32, #tpu.memory_space<hbm>>
      tpu.enqueue_indirect_dma source(%dma_start3A_23 : memref<10240x128xf32, #tpu.memory_space<hbm>>) target(%arg8 : memref<128x128xf32, #tpu.memory_space<vmem>>) offsets(%dma_start3A_20 : memref<128xi32, #tpu.memory_space<vmem>>) semaphore(%arg9 : memref<!tpu.dma_semaphore, #tpu.memory_space<semaphore_mem>>)
      %dma_wait3A = arith.constant 0 : i32
      %dma_wait3A_24 = tpu.memref_slice %arg6[%scan3A_18, %dma_wait3A] : memref<79x128xi32, #tpu.memory_space<vmem>> -> memref<1x128xi32, #tpu.memory_space<vmem>>
      %dma_wait3A_25 = tpu.memref_squeeze %dma_wait3A_24 : memref<1x128xi32, #tpu.memory_space<vmem>> -> memref<128xi32, #tpu.memory_space<vmem>>
      %dma_wait3A_26 = arith.constant 0 : i32
      %dma_wait3A_27 = arith.constant 0 : i32
      %dma_wait3A_28 = tpu.memref_slice %arg2[%dma_wait3A_26, %dma_wait3A_27] : memref<10240x128xf32, #tpu.memory_space<hbm>> -> memref<10240x128xf32, #tpu.memory_space<hbm>>
      tpu.wait_indirect_dma semaphore(%arg9 : memref<!tpu.dma_semaphore, #tpu.memory_space<semaphore_mem>>) src(%dma_wait3A_28 : memref<10240x128xf32, #tpu.memory_space<hbm>>) dst(%arg8 : memref<128x128xf32, #tpu.memory_space<vmem>>)
      "tpu.region"() ({
        %run_scoped3A = tpu.sem_alloc : memref<!tpu.dma_semaphore, #tpu.memory_space<semaphore_mem>>
        %dma_start3A_29 = arith.constant 0 : i32
        %dma_start3A_30 = tpu.memref_slice %arg7[%scan3A_18, %dma_start3A_29] : memref<79x128xi32, #tpu.memory_space<vmem>> -> memref<1x128xi32, #tpu.memory_space<vmem>>
        %dma_start3A_31 = tpu.memref_squeeze %dma_start3A_30 : memref<1x128xi32, #tpu.memory_space<vmem>> -> memref<128xi32, #tpu.memory_space<vmem>>
        %dma_start3A_32 = arith.constant 0 : i32
        %dma_start3A_33 = arith.constant 0 : i32
        %dma_start3A_34 = tpu.memref_slice %arg10[%dma_start3A_32, %dma_start3A_33] : memref<10240x128xf32, #tpu.memory_space<vmem_shared>> -> memref<10240x128xf32, #tpu.memory_space<vmem_shared>>
        tpu.enqueue_indirect_dma source(%arg8 : memref<128x128xf32, #tpu.memory_space<vmem>>) target(%dma_start3A_34 : memref<10240x128xf32, #tpu.memory_space<vmem_shared>>) offsets(%dma_start3A_31 : memref<128xi32, #tpu.memory_space<vmem>>) semaphore(%run_scoped3A : memref<!tpu.dma_semaphore, #tpu.memory_space<semaphore_mem>>) {add = true}
        %dma_wait3A_35 = arith.constant 0 : i32
        %dma_wait3A_36 = tpu.memref_slice %arg7[%scan3A_18, %dma_wait3A_35] : memref<79x128xi32, #tpu.memory_space<vmem>> -> memref<1x128xi32, #tpu.memory_space<vmem>>
        %dma_wait3A_37 = tpu.memref_squeeze %dma_wait3A_36 : memref<1x128xi32, #tpu.memory_space<vmem>> -> memref<128xi32, #tpu.memory_space<vmem>>
        %dma_wait3A_38 = arith.constant 0 : i32
        %dma_wait3A_39 = arith.constant 0 : i32
        %dma_wait3A_40 = tpu.memref_slice %arg10[%dma_wait3A_38, %dma_wait3A_39] : memref<10240x128xf32, #tpu.memory_space<vmem_shared>> -> memref<10240x128xf32, #tpu.memory_space<vmem_shared>>
        tpu.wait_indirect_dma semaphore(%run_scoped3A : memref<!tpu.dma_semaphore, #tpu.memory_space<semaphore_mem>>) src(%arg8 : memref<128x128xf32, #tpu.memory_space<vmem>>) dst(%dma_wait3A_40 : memref<10240x128xf32, #tpu.memory_space<vmem_shared>>)
        tpu.yield
      }) : () -> ()
    }
    %scan3A_12 = arith.constant 79 : i32
    %barrier3A_13 = arith.constant 0 : index
    tpu.barrier barrier_id(%barrier3A_13)
    %mul3A_14 = arith.constant 640 : i32
    %mul3A_15 = arith.muli %arg1, %mul3A_14 : i32
    %mul3A_16 = arith.constant 640 : i32
    %mul3A_17 = arith.muli %arg1, %mul3A_16 : i32
    "tpu.region"() ({
      %run_scoped3A = tpu.sem_alloc : memref<!tpu.dma_semaphore, #tpu.memory_space<semaphore_mem>>
      %dma_start3A = arith.constant 0 : i32
      %dma_start3A_18 = tpu.memref_slice %arg5[%arg0, %mul3A_17, %dma_start3A] : memref<2x10240x128xf32, #tpu.memory_space<hbm>> -> memref<1x640x128xf32, #tpu.memory_space<hbm>>
      %dma_start3A_19 = tpu.memref_squeeze %dma_start3A_18 : memref<1x640x128xf32, #tpu.memory_space<hbm>> -> memref<640x128xf32, #tpu.memory_space<hbm>>
      %dma_start3A_20 = arith.constant 0 : i32
      %dma_start3A_21 = tpu.memref_slice %arg10[%mul3A_15, %dma_start3A_20] : memref<10240x128xf32, #tpu.memory_space<vmem_shared>> -> memref<640x128xf32, #tpu.memory_space<vmem_shared>>
      tpu.enqueue_dma source(%dma_start3A_21 : memref<640x128xf32, #tpu.memory_space<vmem_shared>>) target(%dma_start3A_19 : memref<640x128xf32, #tpu.memory_space<hbm>>) target_semaphore(%run_scoped3A : memref<!tpu.dma_semaphore, #tpu.memory_space<semaphore_mem>>)
      %dma_wait3A = arith.constant 0 : i32
      %dma_wait3A_22 = tpu.memref_slice %arg5[%arg0, %mul3A_17, %dma_wait3A] : memref<2x10240x128xf32, #tpu.memory_space<hbm>> -> memref<1x640x128xf32, #tpu.memory_space<hbm>>
      %dma_wait3A_23 = tpu.memref_squeeze %dma_wait3A_22 : memref<1x640x128xf32, #tpu.memory_space<hbm>> -> memref<640x128xf32, #tpu.memory_space<hbm>>
      %dma_wait3A_24 = arith.constant 0 : i32
      %dma_wait3A_25 = tpu.memref_slice %arg10[%mul3A_15, %dma_wait3A_24] : memref<10240x128xf32, #tpu.memory_space<vmem_shared>> -> memref<640x128xf32, #tpu.memory_space<vmem_shared>>
      tpu.wait_dma2 semaphore(%run_scoped3A : memref<!tpu.dma_semaphore, #tpu.memory_space<semaphore_mem>>) src(%dma_wait3A_25 : memref<640x128xf32, #tpu.memory_space<vmem_shared>>) dst(%dma_wait3A_23 : memref<640x128xf32, #tpu.memory_space<hbm>>)
      tpu.yield
    }) : () -> ()
    return
  }
}

#map = affine_map<(d0, d1) -> (0, 0)>
#map1 = affine_map<(d0, d1) -> (0, 0, 0)>
module attributes {stable_mosaic.version = 14 : i64} {
  func.func @_scatter_sc(%arg0: i32, %arg1: i32, %arg2: memref<10240x128xf32, #tpu.memory_space<hbm>>, %arg3: memref<32x79x128xi32, #tpu.memory_space<hbm>>, %arg4: memref<32x79x128xi32, #tpu.memory_space<hbm>>, %arg5: memref<2x10240x128xf32, #tpu.memory_space<hbm>>, %arg6: memref<79x128xi32, #tpu.memory_space<vmem>>, %arg7: memref<79x128xi32, #tpu.memory_space<vmem>>, %arg8: memref<128x128xf32, #tpu.memory_space<vmem>>, %arg9: memref<!tpu.dma_semaphore, #tpu.memory_space<semaphore_mem>>, %arg10: memref<10240x128xf32, #tpu.memory_space<vmem_shared>>) attributes {dimension_semantics = [#tpu.dimension_semantics<core_parallel>, #tpu.dimension_semantics<subcore_parallel>], iteration_bounds = array<i64: 2, 16>, scalar_prefetch = 0 : i64, scratch_operands = 5 : i64, tpu.core_type = #tpu.core_type<sc_vector_subcore>, window_params = [{transform_indices = #map}, {transform_indices = #map1}, {transform_indices = #map1}, {transform_indices = #map1}]} {
    %mul3A = arith.constant 16 : i32
    %mul3A_0 = arith.muli %arg0, %mul3A : i32
    %add3A = arith.addi %mul3A_0, %arg1 : i32
    "tpu.region"() ({
      %run_scoped3A = tpu.sem_alloc : memref<!tpu.dma_semaphore, #tpu.memory_space<semaphore_mem>>
      %dma_start3A = arith.constant 0 : i32
      %dma_start3A_18 = arith.constant 0 : i32
      %dma_start3A_19 = tpu.memref_slice %arg3[%add3A, %dma_start3A, %dma_start3A_18] : memref<32x79x128xi32, #tpu.memory_space<hbm>> -> memref<1x79x128xi32, #tpu.memory_space<hbm>>
      %dma_start3A_20 = tpu.memref_squeeze %dma_start3A_19 : memref<1x79x128xi32, #tpu.memory_space<hbm>> -> memref<79x128xi32, #tpu.memory_space<hbm>>
      %dma_start3A_21 = arith.constant 0 : i32
      %dma_start3A_22 = arith.constant 0 : i32
      %dma_start3A_23 = tpu.memref_slice %arg3[%add3A, %dma_start3A_21, %dma_start3A_22] : memref<32x79x128xi32, #tpu.memory_space<hbm>> -> memref<1x79x128xi32, #tpu.memory_space<hbm>>
      %dma_start3A_24 = tpu.memref_squeeze %dma_start3A_23 : memref<1x79x128xi32, #tpu.memory_space<hbm>> -> memref<79x128xi32, #tpu.memory_space<hbm>>
      tpu.enqueue_dma source(%dma_start3A_24 : memref<79x128xi32, #tpu.memory_space<hbm>>) target(%arg6 : memref<79x128xi32, #tpu.memory_space<vmem>>) target_semaphore(%run_scoped3A : memref<!tpu.dma_semaphore, #tpu.memory_space<semaphore_mem>>)
      %dma_wait3A = arith.constant 0 : i32
      %dma_wait3A_25 = arith.constant 0 : i32
      %dma_wait3A_26 = tpu.memref_slice %arg3[%add3A, %dma_wait3A, %dma_wait3A_25] : memref<32x79x128xi32, #tpu.memory_space<hbm>> -> memref<1x79x128xi32, #tpu.memory_space<hbm>>
      %dma_wait3A_27 = tpu.memref_squeeze %dma_wait3A_26 : memref<1x79x128xi32, #tpu.memory_space<hbm>> -> memref<79x128xi32, #tpu.memory_space<hbm>>
      %dma_wait3A_28 = arith.constant 0 : i32
      %dma_wait3A_29 = arith.constant 0 : i32
      %dma_wait3A_30 = tpu.memref_slice %arg3[%add3A, %dma_wait3A_28, %dma_wait3A_29] : memref<32x79x128xi32, #tpu.memory_space<hbm>> -> memref<1x79x128xi32, #tpu.memory_space<hbm>>
      %dma_wait3A_31 = tpu.memref_squeeze %dma_wait3A_30 : memref<1x79x128xi32, #tpu.memory_space<hbm>> -> memref<79x128xi32, #tpu.memory_space<hbm>>
      tpu.wait_dma2 semaphore(%run_scoped3A : memref<!tpu.dma_semaphore, #tpu.memory_space<semaphore_mem>>) src(%dma_wait3A_31 : memref<79x128xi32, #tpu.memory_space<hbm>>) dst(%arg6 : memref<79x128xi32, #tpu.memory_space<vmem>>)
      tpu.yield
    }) : () -> ()
    "tpu.region"() ({
      %run_scoped3A = tpu.sem_alloc : memref<!tpu.dma_semaphore, #tpu.memory_space<semaphore_mem>>
      %dma_start3A = arith.constant 0 : i32
      %dma_start3A_18 = arith.constant 0 : i32
      %dma_start3A_19 = tpu.memref_slice %arg4[%add3A, %dma_start3A, %dma_start3A_18] : memref<32x79x128xi32, #tpu.memory_space<hbm>> -> memref<1x79x128xi32, #tpu.memory_space<hbm>>
      %dma_start3A_20 = tpu.memref_squeeze %dma_start3A_19 : memref<1x79x128xi32, #tpu.memory_space<hbm>> -> memref<79x128xi32, #tpu.memory_space<hbm>>
      %dma_start3A_21 = arith.constant 0 : i32
      %dma_start3A_22 = arith.constant 0 : i32
      %dma_start3A_23 = tpu.memref_slice %arg4[%add3A, %dma_start3A_21, %dma_start3A_22] : memref<32x79x128xi32, #tpu.memory_space<hbm>> -> memref<1x79x128xi32, #tpu.memory_space<hbm>>
      %dma_start3A_24 = tpu.memref_squeeze %dma_start3A_23 : memref<1x79x128xi32, #tpu.memory_space<hbm>> -> memref<79x128xi32, #tpu.memory_space<hbm>>
      tpu.enqueue_dma source(%dma_start3A_24 : memref<79x128xi32, #tpu.memory_space<hbm>>) target(%arg7 : memref<79x128xi32, #tpu.memory_space<vmem>>) target_semaphore(%run_scoped3A : memref<!tpu.dma_semaphore, #tpu.memory_space<semaphore_mem>>)
      %dma_wait3A = arith.constant 0 : i32
      %dma_wait3A_25 = arith.constant 0 : i32
      %dma_wait3A_26 = tpu.memref_slice %arg4[%add3A, %dma_wait3A, %dma_wait3A_25] : memref<32x79x128xi32, #tpu.memory_space<hbm>> -> memref<1x79x128xi32, #tpu.memory_space<hbm>>
      %dma_wait3A_27 = tpu.memref_squeeze %dma_wait3A_26 : memref<1x79x128xi32, #tpu.memory_space<hbm>> -> memref<79x128xi32, #tpu.memory_space<hbm>>
      %dma_wait3A_28 = arith.constant 0 : i32
      %dma_wait3A_29 = arith.constant 0 : i32
      %dma_wait3A_30 = tpu.memref_slice %arg4[%add3A, %dma_wait3A_28, %dma_wait3A_29] : memref<32x79x128xi32, #tpu.memory_space<hbm>> -> memref<1x79x128xi32, #tpu.memory_space<hbm>>
      %dma_wait3A_31 = tpu.memref_squeeze %dma_wait3A_30 : memref<1x79x128xi32, #tpu.memory_space<hbm>> -> memref<79x128xi32, #tpu.memory_space<hbm>>
      tpu.wait_dma2 semaphore(%run_scoped3A : memref<!tpu.dma_semaphore, #tpu.memory_space<semaphore_mem>>) src(%dma_wait3A_31 : memref<79x128xi32, #tpu.memory_space<hbm>>) dst(%arg7 : memref<79x128xi32, #tpu.memory_space<vmem>>)
      tpu.yield
    }) : () -> ()
    %eq3A = arith.constant 0 : i32
    %eq3A_1 = arith.cmpi eq, %arg0, %eq3A : i32
    %convert_element_type3A = arith.extui %eq3A_1 : i1 to i32
    %cond3A = arith.constant 0 : i32
    %cond3A_2 = arith.cmpi ne, %convert_element_type3A, %cond3A : i32
    scf.if %cond3A_2 {
      %mul3A_18 = arith.constant 640 : i32
      %mul3A_19 = arith.muli %arg1, %mul3A_18 : i32
      %mul3A_20 = arith.constant 640 : i32
      %mul3A_21 = arith.muli %arg1, %mul3A_20 : i32
      "tpu.region"() ({
        %run_scoped3A = tpu.sem_alloc : memref<!tpu.dma_semaphore, #tpu.memory_space<semaphore_mem>>
        %dma_start3A = arith.constant 0 : i32
        %dma_start3A_22 = tpu.memref_slice %arg10[%mul3A_21, %dma_start3A] : memref<10240x128xf32, #tpu.memory_space<vmem_shared>> -> memref<640x128xf32, #tpu.memory_space<vmem_shared>>
        %dma_start3A_23 = arith.constant 0 : i32
        %dma_start3A_24 = tpu.memref_slice %arg2[%mul3A_19, %dma_start3A_23] : memref<10240x128xf32, #tpu.memory_space<hbm>> -> memref<640x128xf32, #tpu.memory_space<hbm>>
        tpu.enqueue_dma source(%dma_start3A_24 : memref<640x128xf32, #tpu.memory_space<hbm>>) target(%dma_start3A_22 : memref<640x128xf32, #tpu.memory_space<vmem_shared>>) target_semaphore(%run_scoped3A : memref<!tpu.dma_semaphore, #tpu.memory_space<semaphore_mem>>)
        %dma_wait3A = arith.constant 0 : i32
        %dma_wait3A_25 = tpu.memref_slice %arg10[%mul3A_21, %dma_wait3A] : memref<10240x128xf32, #tpu.memory_space<vmem_shared>> -> memref<640x128xf32, #tpu.memory_space<vmem_shared>>
        %dma_wait3A_26 = arith.constant 0 : i32
        %dma_wait3A_27 = tpu.memref_slice %arg2[%mul3A_19, %dma_wait3A_26] : memref<10240x128xf32, #tpu.memory_space<hbm>> -> memref<640x128xf32, #tpu.memory_space<hbm>>
        tpu.wait_dma2 semaphore(%run_scoped3A : memref<!tpu.dma_semaphore, #tpu.memory_space<semaphore_mem>>) src(%dma_wait3A_27 : memref<640x128xf32, #tpu.memory_space<hbm>>) dst(%dma_wait3A_25 : memref<640x128xf32, #tpu.memory_space<vmem_shared>>)
        tpu.yield
      }) : () -> ()
    } else {
    }
    %eq3A_3 = arith.constant 1 : i32
    %eq3A_4 = arith.cmpi eq, %arg0, %eq3A_3 : i32
    %convert_element_type3A_5 = arith.extui %eq3A_4 : i1 to i32
    %cond3A_6 = arith.constant 0 : i32
    %cond3A_7 = arith.cmpi ne, %convert_element_type3A_5, %cond3A_6 : i32
    scf.if %cond3A_7 {
      %scan3A_18 = arith.constant 0 : i32
      %scan3A_19 = arith.constant 0 : i32
      %scan3A_20 = arith.constant 1024 : i32
      %scan3A_21 = arith.addi %scan3A_19, %scan3A_20 : i32
      %scan3A_22 = arith.constant 1 : i32
      scf.for %scan3A_44 = %scan3A_19 to %scan3A_21 step %scan3A_22  : i32 {
        %broadcast_in_dim3A = arith.constant 0.000000e+00 : f32
        %broadcast_in_dim3A_45 = vector.broadcast %broadcast_in_dim3A : f32 to vector<16xf32>
        %jit3A = arith.constant 8 : i32
        %div3A = arith.divsi %scan3A_44, %jit3A : i32
        %sign3A = arith.constant 0 : i32
        %sign3A_46 = arith.cmpi sgt, %scan3A_44, %sign3A : i32
        %sign3A_47 = arith.extui %sign3A_46 : i1 to i32
        %sign3A_48 = arith.constant 0 : i32
        %sign3A_49 = arith.cmpi slt, %scan3A_44, %sign3A_48 : i32
        %sign3A_50 = arith.extui %sign3A_49 : i1 to i32
        %sign3A_51 = arith.subi %sign3A_47, %sign3A_50 : i32
        %sign3A_52 = arith.constant 0 : i32
        %sign3A_53 = arith.cmpi sgt, %jit3A, %sign3A_52 : i32
        %sign3A_54 = arith.extui %sign3A_53 : i1 to i32
        %sign3A_55 = arith.constant 0 : i32
        %sign3A_56 = arith.cmpi slt, %jit3A, %sign3A_55 : i32
        %sign3A_57 = arith.extui %sign3A_56 : i1 to i32
        %sign3A_58 = arith.subi %sign3A_54, %sign3A_57 : i32
        %ne3A = arith.cmpi ne, %sign3A_51, %sign3A_58 : i32
        %rem3A = arith.remsi %scan3A_44, %jit3A : i32
        %ne3A_59 = arith.constant 0 : i32
        %ne3A_60 = arith.cmpi ne, %rem3A, %ne3A_59 : i32
        %and3A = arith.andi %ne3A, %ne3A_60 : i1
        %sub3A = arith.constant 1 : i32
        %sub3A_61 = arith.subi %div3A, %sub3A : i32
        %select_n3A = arith.select %and3A, %sub3A_61, %div3A : i32
        %jit3A_62 = arith.constant 8 : i32
        %eq3A_63 = arith.constant 0 : i32
        %eq3A_64 = arith.cmpi eq, %jit3A_62, %eq3A_63 : i32
        %jit3A_65 = arith.constant 1 : i32
        %select_n3A_66 = arith.select %eq3A_64, %jit3A_65, %jit3A_62 : i32
        %rem3A_67 = arith.remsi %scan3A_44, %select_n3A_66 : i32
        %ne3A_68 = arith.constant 0 : i32
        %ne3A_69 = arith.cmpi ne, %rem3A_67, %ne3A_68 : i32
        %lt3A = arith.constant 0 : i32
        %lt3A_70 = arith.cmpi slt, %rem3A_67, %lt3A : i32
        %lt3A_71 = arith.constant 0 : i32
        %lt3A_72 = arith.cmpi slt, %select_n3A_66, %lt3A_71 : i32
        %ne3A_73 = arith.xori %lt3A_70, %lt3A_72 : i1
        %and3A_74 = arith.andi %ne3A_73, %ne3A_69 : i1
        %add3A_75 = arith.addi %rem3A_67, %select_n3A_66 : i32
        %select_n3A_76 = arith.select %and3A_74, %add3A_75, %rem3A_67 : i32
        %mul3A_77 = arith.constant 16 : i32
        %mul3A_78 = arith.muli %select_n3A_76, %mul3A_77 : i32
        %swap3A = arith.index_cast %select_n3A : i32 to index
        %swap3A_79 = arith.index_cast %mul3A_78 : i32 to index
        %swap3A_80 = tpu.vector_load %arg8[%swap3A, %swap3A_79] {strides = array<i32>} : memref<128x128xf32, #tpu.memory_space<vmem>>, vector<1x16xf32>,
        %swap3A_81 = vector.shape_cast %swap3A_80 : vector<1x16xf32> to vector<16xf32>
        %swap3A_82 = vector.shape_cast %broadcast_in_dim3A_45 : vector<16xf32> to vector<1x16xf32>
        tpu.vector_store %arg8[%swap3A, %swap3A_79], %swap3A_82 {strides = array<i32>} : memref<128x128xf32, #tpu.memory_space<vmem>>, vector<1x16xf32>,
      }
      %scan3A_23 = arith.constant 1024 : i32
      %mul3A_24 = arith.constant 640 : i32
      %mul3A_25 = arith.muli %arg1, %mul3A_24 : i32
      %add3A_26 = arith.constant 0 : i32
      %add3A_27 = arith.addi %mul3A_25, %add3A_26 : i32
      "tpu.region"() ({
        %run_scoped3A = tpu.sem_alloc : memref<!tpu.dma_semaphore, #tpu.memory_space<semaphore_mem>>
        %dma_start3A = arith.constant 0 : i32
        %dma_start3A_44 = arith.constant 0 : i32
        %dma_start3A_45 = tpu.memref_slice %arg8[%dma_start3A, %dma_start3A_44] : memref<128x128xf32, #tpu.memory_space<vmem>> -> memref<128x128xf32, #tpu.memory_space<vmem>>
        %dma_start3A_46 = arith.constant 0 : i32
        %dma_start3A_47 = tpu.memref_slice %arg10[%add3A_27, %dma_start3A_46] : memref<10240x128xf32, #tpu.memory_space<vmem_shared>> -> memref<128x128xf32, #tpu.memory_space<vmem_shared>>
        %dma_start3A_48 = arith.constant 0 : i32
        %dma_start3A_49 = tpu.memref_slice %arg10[%add3A_27, %dma_start3A_48] : memref<10240x128xf32, #tpu.memory_space<vmem_shared>> -> memref<128x128xf32, #tpu.memory_space<vmem_shared>>
        %dma_start3A_50 = arith.constant 0 : i32
        %dma_start3A_51 = arith.constant 0 : i32
        %dma_start3A_52 = tpu.memref_slice %arg8[%dma_start3A_50, %dma_start3A_51] : memref<128x128xf32, #tpu.memory_space<vmem>> -> memref<128x128xf32, #tpu.memory_space<vmem>>
        tpu.enqueue_dma source(%dma_start3A_52 : memref<128x128xf32, #tpu.memory_space<vmem>>) target(%dma_start3A_49 : memref<128x128xf32, #tpu.memory_space<vmem_shared>>) target_semaphore(%run_scoped3A : memref<!tpu.dma_semaphore, #tpu.memory_space<semaphore_mem>>)
        %dma_wait3A = arith.constant 0 : i32
        %dma_wait3A_53 = arith.constant 0 : i32
        %dma_wait3A_54 = tpu.memref_slice %arg8[%dma_wait3A, %dma_wait3A_53] : memref<128x128xf32, #tpu.memory_space<vmem>> -> memref<128x128xf32, #tpu.memory_space<vmem>>
        %dma_wait3A_55 = arith.constant 0 : i32
        %dma_wait3A_56 = tpu.memref_slice %arg10[%add3A_27, %dma_wait3A_55] : memref<10240x128xf32, #tpu.memory_space<vmem_shared>> -> memref<128x128xf32, #tpu.memory_space<vmem_shared>>
        %dma_wait3A_57 = arith.constant 0 : i32
        %dma_wait3A_58 = tpu.memref_slice %arg10[%add3A_27, %dma_wait3A_57] : memref<10240x128xf32, #tpu.memory_space<vmem_shared>> -> memref<128x128xf32, #tpu.memory_space<vmem_shared>>
        %dma_wait3A_59 = arith.constant 0 : i32
        %dma_wait3A_60 = arith.constant 0 : i32
        %dma_wait3A_61 = tpu.memref_slice %arg8[%dma_wait3A_59, %dma_wait3A_60] : memref<128x128xf32, #tpu.memory_space<vmem>> -> memref<128x128xf32, #tpu.memory_space<vmem>>
        tpu.wait_dma2 semaphore(%run_scoped3A : memref<!tpu.dma_semaphore, #tpu.memory_space<semaphore_mem>>) src(%dma_wait3A_61 : memref<128x128xf32, #tpu.memory_space<vmem>>) dst(%dma_wait3A_58 : memref<128x128xf32, #tpu.memory_space<vmem_shared>>)
        tpu.yield
      }) : () -> ()
      %mul3A_28 = arith.constant 640 : i32
      %mul3A_29 = arith.muli %arg1, %mul3A_28 : i32
      %add3A_30 = arith.constant 128 : i32
      %add3A_31 = arith.addi %mul3A_29, %add3A_30 : i32
      "tpu.region"() ({
        %run_scoped3A = tpu.sem_alloc : memref<!tpu.dma_semaphore, #tpu.memory_space<semaphore_mem>>
        %dma_start3A = arith.constant 0 : i32
        %dma_start3A_44 = arith.constant 0 : i32
        %dma_start3A_45 = tpu.memref_slice %arg8[%dma_start3A, %dma_start3A_44] : memref<128x128xf32, #tpu.memory_space<vmem>> -> memref<128x128xf32, #tpu.memory_space<vmem>>
        %dma_start3A_46 = arith.constant 0 : i32
        %dma_start3A_47 = tpu.memref_slice %arg10[%add3A_31, %dma_start3A_46] : memref<10240x128xf32, #tpu.memory_space<vmem_shared>> -> memref<128x128xf32, #tpu.memory_space<vmem_shared>>
        %dma_start3A_48 = arith.constant 0 : i32
        %dma_start3A_49 = tpu.memref_slice %arg10[%add3A_31, %dma_start3A_48] : memref<10240x128xf32, #tpu.memory_space<vmem_shared>> -> memref<128x128xf32, #tpu.memory_space<vmem_shared>>
        %dma_start3A_50 = arith.constant 0 : i32
        %dma_start3A_51 = arith.constant 0 : i32
        %dma_start3A_52 = tpu.memref_slice %arg8[%dma_start3A_50, %dma_start3A_51] : memref<128x128xf32, #tpu.memory_space<vmem>> -> memref<128x128xf32, #tpu.memory_space<vmem>>
        tpu.enqueue_dma source(%dma_start3A_52 : memref<128x128xf32, #tpu.memory_space<vmem>>) target(%dma_start3A_49 : memref<128x128xf32, #tpu.memory_space<vmem_shared>>) target_semaphore(%run_scoped3A : memref<!tpu.dma_semaphore, #tpu.memory_space<semaphore_mem>>)
        %dma_wait3A = arith.constant 0 : i32
        %dma_wait3A_53 = arith.constant 0 : i32
        %dma_wait3A_54 = tpu.memref_slice %arg8[%dma_wait3A, %dma_wait3A_53] : memref<128x128xf32, #tpu.memory_space<vmem>> -> memref<128x128xf32, #tpu.memory_space<vmem>>
        %dma_wait3A_55 = arith.constant 0 : i32
        %dma_wait3A_56 = tpu.memref_slice %arg10[%add3A_31, %dma_wait3A_55] : memref<10240x128xf32, #tpu.memory_space<vmem_shared>> -> memref<128x128xf32, #tpu.memory_space<vmem_shared>>
        %dma_wait3A_57 = arith.constant 0 : i32
        %dma_wait3A_58 = tpu.memref_slice %arg10[%add3A_31, %dma_wait3A_57] : memref<10240x128xf32, #tpu.memory_space<vmem_shared>> -> memref<128x128xf32, #tpu.memory_space<vmem_shared>>
        %dma_wait3A_59 = arith.constant 0 : i32
        %dma_wait3A_60 = arith.constant 0 : i32
        %dma_wait3A_61 = tpu.memref_slice %arg8[%dma_wait3A_59, %dma_wait3A_60] : memref<128x128xf32, #tpu.memory_space<vmem>> -> memref<128x128xf32, #tpu.memory_space<vmem>>
        tpu.wait_dma2 semaphore(%run_scoped3A : memref<!tpu.dma_semaphore, #tpu.memory_space<semaphore_mem>>) src(%dma_wait3A_61 : memref<128x128xf32, #tpu.memory_space<vmem>>) dst(%dma_wait3A_58 : memref<128x128xf32, #tpu.memory_space<vmem_shared>>)
        tpu.yield
      }) : () -> ()
      %mul3A_32 = arith.constant 640 : i32
      %mul3A_33 = arith.muli %arg1, %mul3A_32 : i32
      %add3A_34 = arith.constant 256 : i32
      %add3A_35 = arith.addi %mul3A_33, %add3A_34 : i32
      "tpu.region"() ({
        %run_scoped3A = tpu.sem_alloc : memref<!tpu.dma_semaphore, #tpu.memory_space<semaphore_mem>>
        %dma_start3A = arith.constant 0 : i32
        %dma_start3A_44 = arith.constant 0 : i32
        %dma_start3A_45 = tpu.memref_slice %arg8[%dma_start3A, %dma_start3A_44] : memref<128x128xf32, #tpu.memory_space<vmem>> -> memref<128x128xf32, #tpu.memory_space<vmem>>
        %dma_start3A_46 = arith.constant 0 : i32
        %dma_start3A_47 = tpu.memref_slice %arg10[%add3A_35, %dma_start3A_46] : memref<10240x128xf32, #tpu.memory_space<vmem_shared>> -> memref<128x128xf32, #tpu.memory_space<vmem_shared>>
        %dma_start3A_48 = arith.constant 0 : i32
        %dma_start3A_49 = tpu.memref_slice %arg10[%add3A_35, %dma_start3A_48] : memref<10240x128xf32, #tpu.memory_space<vmem_shared>> -> memref<128x128xf32, #tpu.memory_space<vmem_shared>>
        %dma_start3A_50 = arith.constant 0 : i32
        %dma_start3A_51 = arith.constant 0 : i32
        %dma_start3A_52 = tpu.memref_slice %arg8[%dma_start3A_50, %dma_start3A_51] : memref<128x128xf32, #tpu.memory_space<vmem>> -> memref<128x128xf32, #tpu.memory_space<vmem>>
        tpu.enqueue_dma source(%dma_start3A_52 : memref<128x128xf32, #tpu.memory_space<vmem>>) target(%dma_start3A_49 : memref<128x128xf32, #tpu.memory_space<vmem_shared>>) target_semaphore(%run_scoped3A : memref<!tpu.dma_semaphore, #tpu.memory_space<semaphore_mem>>)
        %dma_wait3A = arith.constant 0 : i32
        %dma_wait3A_53 = arith.constant 0 : i32
        %dma_wait3A_54 = tpu.memref_slice %arg8[%dma_wait3A, %dma_wait3A_53] : memref<128x128xf32, #tpu.memory_space<vmem>> -> memref<128x128xf32, #tpu.memory_space<vmem>>
        %dma_wait3A_55 = arith.constant 0 : i32
        %dma_wait3A_56 = tpu.memref_slice %arg10[%add3A_35, %dma_wait3A_55] : memref<10240x128xf32, #tpu.memory_space<vmem_shared>> -> memref<128x128xf32, #tpu.memory_space<vmem_shared>>
        %dma_wait3A_57 = arith.constant 0 : i32
        %dma_wait3A_58 = tpu.memref_slice %arg10[%add3A_35, %dma_wait3A_57] : memref<10240x128xf32, #tpu.memory_space<vmem_shared>> -> memref<128x128xf32, #tpu.memory_space<vmem_shared>>
        %dma_wait3A_59 = arith.constant 0 : i32
        %dma_wait3A_60 = arith.constant 0 : i32
        %dma_wait3A_61 = tpu.memref_slice %arg8[%dma_wait3A_59, %dma_wait3A_60] : memref<128x128xf32, #tpu.memory_space<vmem>> -> memref<128x128xf32, #tpu.memory_space<vmem>>
        tpu.wait_dma2 semaphore(%run_scoped3A : memref<!tpu.dma_semaphore, #tpu.memory_space<semaphore_mem>>) src(%dma_wait3A_61 : memref<128x128xf32, #tpu.memory_space<vmem>>) dst(%dma_wait3A_58 : memref<128x128xf32, #tpu.memory_space<vmem_shared>>)
        tpu.yield
      }) : () -> ()
      %mul3A_36 = arith.constant 640 : i32
      %mul3A_37 = arith.muli %arg1, %mul3A_36 : i32
      %add3A_38 = arith.constant 384 : i32
      %add3A_39 = arith.addi %mul3A_37, %add3A_38 : i32
      "tpu.region"() ({
        %run_scoped3A = tpu.sem_alloc : memref<!tpu.dma_semaphore, #tpu.memory_space<semaphore_mem>>
        %dma_start3A = arith.constant 0 : i32
        %dma_start3A_44 = arith.constant 0 : i32
        %dma_start3A_45 = tpu.memref_slice %arg8[%dma_start3A, %dma_start3A_44] : memref<128x128xf32, #tpu.memory_space<vmem>> -> memref<128x128xf32, #tpu.memory_space<vmem>>
        %dma_start3A_46 = arith.constant 0 : i32
        %dma_start3A_47 = tpu.memref_slice %arg10[%add3A_39, %dma_start3A_46] : memref<10240x128xf32, #tpu.memory_space<vmem_shared>> -> memref<128x128xf32, #tpu.memory_space<vmem_shared>>
        %dma_start3A_48 = arith.constant 0 : i32
        %dma_start3A_49 = tpu.memref_slice %arg10[%add3A_39, %dma_start3A_48] : memref<10240x128xf32, #tpu.memory_space<vmem_shared>> -> memref<128x128xf32, #tpu.memory_space<vmem_shared>>
        %dma_start3A_50 = arith.constant 0 : i32
        %dma_start3A_51 = arith.constant 0 : i32
        %dma_start3A_52 = tpu.memref_slice %arg8[%dma_start3A_50, %dma_start3A_51] : memref<128x128xf32, #tpu.memory_space<vmem>> -> memref<128x128xf32, #tpu.memory_space<vmem>>
        tpu.enqueue_dma source(%dma_start3A_52 : memref<128x128xf32, #tpu.memory_space<vmem>>) target(%dma_start3A_49 : memref<128x128xf32, #tpu.memory_space<vmem_shared>>) target_semaphore(%run_scoped3A : memref<!tpu.dma_semaphore, #tpu.memory_space<semaphore_mem>>)
        %dma_wait3A = arith.constant 0 : i32
        %dma_wait3A_53 = arith.constant 0 : i32
        %dma_wait3A_54 = tpu.memref_slice %arg8[%dma_wait3A, %dma_wait3A_53] : memref<128x128xf32, #tpu.memory_space<vmem>> -> memref<128x128xf32, #tpu.memory_space<vmem>>
        %dma_wait3A_55 = arith.constant 0 : i32
        %dma_wait3A_56 = tpu.memref_slice %arg10[%add3A_39, %dma_wait3A_55] : memref<10240x128xf32, #tpu.memory_space<vmem_shared>> -> memref<128x128xf32, #tpu.memory_space<vmem_shared>>
        %dma_wait3A_57 = arith.constant 0 : i32
        %dma_wait3A_58 = tpu.memref_slice %arg10[%add3A_39, %dma_wait3A_57] : memref<10240x128xf32, #tpu.memory_space<vmem_shared>> -> memref<128x128xf32, #tpu.memory_space<vmem_shared>>
        %dma_wait3A_59 = arith.constant 0 : i32
        %dma_wait3A_60 = arith.constant 0 : i32
        %dma_wait3A_61 = tpu.memref_slice %arg8[%dma_wait3A_59, %dma_wait3A_60] : memref<128x128xf32, #tpu.memory_space<vmem>> -> memref<128x128xf32, #tpu.memory_space<vmem>>
        tpu.wait_dma2 semaphore(%run_scoped3A : memref<!tpu.dma_semaphore, #tpu.memory_space<semaphore_mem>>) src(%dma_wait3A_61 : memref<128x128xf32, #tpu.memory_space<vmem>>) dst(%dma_wait3A_58 : memref<128x128xf32, #tpu.memory_space<vmem_shared>>)
        tpu.yield
      }) : () -> ()
      %mul3A_40 = arith.constant 640 : i32
      %mul3A_41 = arith.muli %arg1, %mul3A_40 : i32
      %add3A_42 = arith.constant 512 : i32
      %add3A_43 = arith.addi %mul3A_41, %add3A_42 : i32
      "tpu.region"() ({
        %run_scoped3A = tpu.sem_alloc : memref<!tpu.dma_semaphore, #tpu.memory_space<semaphore_mem>>
        %dma_start3A = arith.constant 0 : i32
        %dma_start3A_44 = arith.constant 0 : i32
        %dma_start3A_45 = tpu.memref_slice %arg8[%dma_start3A, %dma_start3A_44] : memref<128x128xf32, #tpu.memory_space<vmem>> -> memref<128x128xf32, #tpu.memory_space<vmem>>
        %dma_start3A_46 = arith.constant 0 : i32
        %dma_start3A_47 = tpu.memref_slice %arg10[%add3A_43, %dma_start3A_46] : memref<10240x128xf32, #tpu.memory_space<vmem_shared>> -> memref<128x128xf32, #tpu.memory_space<vmem_shared>>
        %dma_start3A_48 = arith.constant 0 : i32
        %dma_start3A_49 = tpu.memref_slice %arg10[%add3A_43, %dma_start3A_48] : memref<10240x128xf32, #tpu.memory_space<vmem_shared>> -> memref<128x128xf32, #tpu.memory_space<vmem_shared>>
        %dma_start3A_50 = arith.constant 0 : i32
        %dma_start3A_51 = arith.constant 0 : i32
        %dma_start3A_52 = tpu.memref_slice %arg8[%dma_start3A_50, %dma_start3A_51] : memref<128x128xf32, #tpu.memory_space<vmem>> -> memref<128x128xf32, #tpu.memory_space<vmem>>
        tpu.enqueue_dma source(%dma_start3A_52 : memref<128x128xf32, #tpu.memory_space<vmem>>) target(%dma_start3A_49 : memref<128x128xf32, #tpu.memory_space<vmem_shared>>) target_semaphore(%run_scoped3A : memref<!tpu.dma_semaphore, #tpu.memory_space<semaphore_mem>>)
        %dma_wait3A = arith.constant 0 : i32
        %dma_wait3A_53 = arith.constant 0 : i32
        %dma_wait3A_54 = tpu.memref_slice %arg8[%dma_wait3A, %dma_wait3A_53] : memref<128x128xf32, #tpu.memory_space<vmem>> -> memref<128x128xf32, #tpu.memory_space<vmem>>
        %dma_wait3A_55 = arith.constant 0 : i32
        %dma_wait3A_56 = tpu.memref_slice %arg10[%add3A_43, %dma_wait3A_55] : memref<10240x128xf32, #tpu.memory_space<vmem_shared>> -> memref<128x128xf32, #tpu.memory_space<vmem_shared>>
        %dma_wait3A_57 = arith.constant 0 : i32
        %dma_wait3A_58 = tpu.memref_slice %arg10[%add3A_43, %dma_wait3A_57] : memref<10240x128xf32, #tpu.memory_space<vmem_shared>> -> memref<128x128xf32, #tpu.memory_space<vmem_shared>>
        %dma_wait3A_59 = arith.constant 0 : i32
        %dma_wait3A_60 = arith.constant 0 : i32
        %dma_wait3A_61 = tpu.memref_slice %arg8[%dma_wait3A_59, %dma_wait3A_60] : memref<128x128xf32, #tpu.memory_space<vmem>> -> memref<128x128xf32, #tpu.memory_space<vmem>>
        tpu.wait_dma2 semaphore(%run_scoped3A : memref<!tpu.dma_semaphore, #tpu.memory_space<semaphore_mem>>) src(%dma_wait3A_61 : memref<128x128xf32, #tpu.memory_space<vmem>>) dst(%dma_wait3A_58 : memref<128x128xf32, #tpu.memory_space<vmem_shared>>)
        tpu.yield
      }) : () -> ()
    } else {
    }
    %barrier3A = arith.constant 0 : index
    tpu.barrier barrier_id(%barrier3A)
    %scan3A = arith.constant 0 : i32
    %scan3A_8 = arith.constant 0 : i32
    %scan3A_9 = arith.constant 79 : i32
    %scan3A_10 = arith.addi %scan3A_8, %scan3A_9 : i32
    %scan3A_11 = arith.constant 1 : i32
    scf.for %scan3A_18 = %scan3A_8 to %scan3A_10 step %scan3A_11  : i32 {
      %dma_start3A = arith.constant 0 : i32
      %dma_start3A_19 = tpu.memref_slice %arg6[%scan3A_18, %dma_start3A] : memref<79x128xi32, #tpu.memory_space<vmem>> -> memref<1x128xi32, #tpu.memory_space<vmem>>
      %dma_start3A_20 = tpu.memref_squeeze %dma_start3A_19 : memref<1x128xi32, #tpu.memory_space<vmem>> -> memref<128xi32, #tpu.memory_space<vmem>>
      %dma_start3A_21 = arith.constant 0 : i32
      %dma_start3A_22 = arith.constant 0 : i32
      %dma_start3A_23 = tpu.memref_slice %arg2[%dma_start3A_21, %dma_start3A_22] : memref<10240x128xf32, #tpu.memory_space<hbm>> -> memref<10240x128xf32, #tpu.memory_space<hbm>>
      tpu.enqueue_indirect_dma source(%dma_start3A_23 : memref<10240x128xf32, #tpu.memory_space<hbm>>) target(%arg8 : memref<128x128xf32, #tpu.memory_space<vmem>>) offsets(%dma_start3A_20 : memref<128xi32, #tpu.memory_space<vmem>>) semaphore(%arg9 : memref<!tpu.dma_semaphore, #tpu.memory_space<semaphore_mem>>)
      %dma_wait3A = arith.constant 0 : i32
      %dma_wait3A_24 = tpu.memref_slice %arg6[%scan3A_18, %dma_wait3A] : memref<79x128xi32, #tpu.memory_space<vmem>> -> memref<1x128xi32, #tpu.memory_space<vmem>>
      %dma_wait3A_25 = tpu.memref_squeeze %dma_wait3A_24 : memref<1x128xi32, #tpu.memory_space<vmem>> -> memref<128xi32, #tpu.memory_space<vmem>>
      %dma_wait3A_26 = arith.constant 0 : i32
      %dma_wait3A_27 = arith.constant 0 : i32
      %dma_wait3A_28 = tpu.memref_slice %arg2[%dma_wait3A_26, %dma_wait3A_27] : memref<10240x128xf32, #tpu.memory_space<hbm>> -> memref<10240x128xf32, #tpu.memory_space<hbm>>
      tpu.wait_indirect_dma semaphore(%arg9 : memref<!tpu.dma_semaphore, #tpu.memory_space<semaphore_mem>>) src(%dma_wait3A_28 : memref<10240x128xf32, #tpu.memory_space<hbm>>) dst(%arg8 : memref<128x128xf32, #tpu.memory_space<vmem>>)
      "tpu.region"() ({
        %run_scoped3A = tpu.sem_alloc : memref<!tpu.dma_semaphore, #tpu.memory_space<semaphore_mem>>
        %dma_start3A_29 = arith.constant 0 : i32
        %dma_start3A_30 = tpu.memref_slice %arg7[%scan3A_18, %dma_start3A_29] : memref<79x128xi32, #tpu.memory_space<vmem>> -> memref<1x128xi32, #tpu.memory_space<vmem>>
        %dma_start3A_31 = tpu.memref_squeeze %dma_start3A_30 : memref<1x128xi32, #tpu.memory_space<vmem>> -> memref<128xi32, #tpu.memory_space<vmem>>
        %dma_start3A_32 = arith.constant 0 : i32
        %dma_start3A_33 = arith.constant 0 : i32
        %dma_start3A_34 = tpu.memref_slice %arg10[%dma_start3A_32, %dma_start3A_33] : memref<10240x128xf32, #tpu.memory_space<vmem_shared>> -> memref<10240x128xf32, #tpu.memory_space<vmem_shared>>
        tpu.enqueue_indirect_dma source(%arg8 : memref<128x128xf32, #tpu.memory_space<vmem>>) target(%dma_start3A_34 : memref<10240x128xf32, #tpu.memory_space<vmem_shared>>) offsets(%dma_start3A_31 : memref<128xi32, #tpu.memory_space<vmem>>) semaphore(%run_scoped3A : memref<!tpu.dma_semaphore, #tpu.memory_space<semaphore_mem>>) {add = true}
        %dma_wait3A_35 = arith.constant 0 : i32
        %dma_wait3A_36 = tpu.memref_slice %arg7[%scan3A_18, %dma_wait3A_35] : memref<79x128xi32, #tpu.memory_space<vmem>> -> memref<1x128xi32, #tpu.memory_space<vmem>>
        %dma_wait3A_37 = tpu.memref_squeeze %dma_wait3A_36 : memref<1x128xi32, #tpu.memory_space<vmem>> -> memref<128xi32, #tpu.memory_space<vmem>>
        %dma_wait3A_38 = arith.constant 0 : i32
        %dma_wait3A_39 = arith.constant 0 : i32
        %dma_wait3A_40 = tpu.memref_slice %arg10[%dma_wait3A_38, %dma_wait3A_39] : memref<10240x128xf32, #tpu.memory_space<vmem_shared>> -> memref<10240x128xf32, #tpu.memory_space<vmem_shared>>
        tpu.wait_indirect_dma semaphore(%run_scoped3A : memref<!tpu.dma_semaphore, #tpu.memory_space<semaphore_mem>>) src(%arg8 : memref<128x128xf32, #tpu.memory_space<vmem>>) dst(%dma_wait3A_40 : memref<10240x128xf32, #tpu.memory_space<vmem_shared>>)
        tpu.yield
      }) : () -> ()
    }
    %scan3A_12 = arith.constant 79 : i32
    %barrier3A_13 = arith.constant 0 : index
    tpu.barrier barrier_id(%barrier3A_13)
    %mul3A_14 = arith.constant 640 : i32
    %mul3A_15 = arith.muli %arg1, %mul3A_14 : i32
    %mul3A_16 = arith.constant 640 : i32
    %mul3A_17 = arith.muli %arg1, %mul3A_16 : i32
    "tpu.region"() ({
      %run_scoped3A = tpu.sem_alloc : memref<!tpu.dma_semaphore, #tpu.memory_space<semaphore_mem>>
      %dma_start3A = arith.constant 0 : i32
      %dma_start3A_18 = tpu.memref_slice %arg5[%arg0, %mul3A_17, %dma_start3A] : memref<2x10240x128xf32, #tpu.memory_space<hbm>> -> memref<1x640x128xf32, #tpu.memory_space<hbm>>
      %dma_start3A_19 = tpu.memref_squeeze %dma_start3A_18 : memref<1x640x128xf32, #tpu.memory_space<hbm>> -> memref<640x128xf32, #tpu.memory_space<hbm>>
      %dma_start3A_20 = arith.constant 0 : i32
      %dma_start3A_21 = tpu.memref_slice %arg10[%mul3A_15, %dma_start3A_20] : memref<10240x128xf32, #tpu.memory_space<vmem_shared>> -> memref<640x128xf32, #tpu.memory_space<vmem_shared>>
      tpu.enqueue_dma source(%dma_start3A_21 : memref<640x128xf32, #tpu.memory_space<vmem_shared>>) target(%dma_start3A_19 : memref<640x128xf32, #tpu.memory_space<hbm>>) target_semaphore(%run_scoped3A : memref<!tpu.dma_semaphore, #tpu.memory_space<semaphore_mem>>)
      %dma_wait3A = arith.constant 0 : i32
      %dma_wait3A_22 = tpu.memref_slice %arg5[%arg0, %mul3A_17, %dma_wait3A] : memref<2x10240x128xf32, #tpu.memory_space<hbm>> -> memref<1x640x128xf32, #tpu.memory_space<hbm>>
      %dma_wait3A_23 = tpu.memref_squeeze %dma_wait3A_22 : memref<1x640x128xf32, #tpu.memory_space<hbm>> -> memref<640x128xf32, #tpu.memory_space<hbm>>
      %dma_wait3A_24 = arith.constant 0 : i32
      %dma_wait3A_25 = tpu.memref_slice %arg10[%mul3A_15, %dma_wait3A_24] : memref<10240x128xf32, #tpu.memory_space<vmem_shared>> -> memref<640x128xf32, #tpu.memory_space<vmem_shared>>
      tpu.wait_dma2 semaphore(%run_scoped3A : memref<!tpu.dma_semaphore, #tpu.memory_space<semaphore_mem>>) src(%dma_wait3A_25 : memref<640x128xf32, #tpu.memory_space<vmem_shared>>) dst(%dma_wait3A_23 : memref<640x128xf32, #tpu.memory_space<hbm>>)
      tpu.yield
    }) : () -> ()
    return
  }
}

module attributes {stable_mosaic.version = 14 : i64} {
  func.func @_prep_body(%arg0: memref<20480xf32, #tpu.memory_space<vmem>>, %arg1: memref<10000x128xf32, #tpu.memory_space<vmem>>, %arg2: memref<128x128xf32, #tpu.memory_space<vmem>>, %arg3: memref<10240x128xf32, #tpu.memory_space<vmem>>, %arg4: memref<10240x1xf32, #tpu.memory_space<vmem>>) attributes {dimension_semantics = [], scalar_prefetch = 0 : i64, scratch_operands = 0 : i64, tpu.core_type = #tpu.core_type<tc>} {
    %get3A = arith.constant 0 : index
    %get3A_0 = vector.load %arg0[%get3A] : memref<20480xf32, #tpu.memory_space<vmem>>, vector<10240xf32>
    %get3A_1 = arith.constant 10240 : index
    %get3A_2 = vector.load %arg0[%get3A_1] : memref<20480xf32, #tpu.memory_space<vmem>>, vector<10240xf32>
    %add3A = arith.addf %get3A_0, %get3A_2 : vector<10240xf32>
    %add3A_3 = arith.constant 1.000000e+00 : f32
    %add3A_4 = vector.broadcast %add3A_3 : f32 to vector<10240xf32>
    %add3A_5 = arith.addf %add3A, %add3A_4 : vector<10240xf32>
    %rsqrt3A = math.rsqrt %add3A_5 : vector<10240xf32>
    %reshape3A = vector.shape_cast %rsqrt3A : vector<10240xf32> to vector<10240x1xf32>
    %swap3A = arith.constant 0 : index
    %swap3A_6 = arith.constant 0 : index
    %swap3A_7 = vector.load %arg4[%swap3A, %swap3A_6] : memref<10240x1xf32, #tpu.memory_space<vmem>>, vector<10240x1xf32>
    tpu.vector_store %arg4[%swap3A, %swap3A_6], %reshape3A {strides = array<i32>} : memref<10240x1xf32, #tpu.memory_space<vmem>>, vector<10240x1xf32>,
    %get3A_8 = arith.constant 0 : index
    %get3A_9 = arith.constant 0 : index
    %get3A_10 = vector.load %arg1[%get3A_8, %get3A_9] : memref<10000x128xf32, #tpu.memory_space<vmem>>, vector<10000x128xf32>
    %get3A_11 = arith.constant 0 : index
    %get3A_12 = arith.constant 0 : index
    %get3A_13 = vector.load %arg2[%get3A_11, %get3A_12] : memref<128x128xf32, #tpu.memory_space<vmem>>, vector<128x128xf32>
    %dot_general3A = arith.constant dense<0.000000e+00> : vector<10000x128xf32>
    %dot_general3A_14 = tpu.matmul %get3A_10, %get3A_13, %dot_general3A {dimension_numbers = #tpu.dot_dimension_numbers<[1], [0], [0], [1], [0, 0, 1, 1], [], []>, transpose_lhs_hint = false} : vector<10000x128xf32>, vector<128x128xf32>, vector<10000x128xf32> -> vector<10000x128xf32>
    %slice3A = vector.extract_strided_slice %reshape3A {offsets = [0, 0], sizes = [10000, 1], strides = [1, 1]} : vector<10240x1xf32> to vector<10000x1xf32>
    %mul3A = vector.broadcast %slice3A : vector<10000x1xf32> to vector<10000x128xf32>
    %mul3A_15 = arith.mulf %dot_general3A_14, %mul3A : vector<10000x128xf32>
    %broadcast_in_dim3A = arith.constant 0.000000e+00 : f32
    %broadcast_in_dim3A_16 = vector.broadcast %broadcast_in_dim3A : f32 to vector<240x128xf32>
    %concatenate3A = tpu.concatenate %mul3A_15, %broadcast_in_dim3A_16 in 0 : vector<10000x128xf32>, vector<240x128xf32> -> vector<10240x128xf32>
    %swap3A_17 = arith.constant 0 : index
    %swap3A_18 = arith.constant 0 : index
    %swap3A_19 = vector.load %arg3[%swap3A_17, %swap3A_18] : memref<10240x128xf32, #tpu.memory_space<vmem>>, vector<10240x128xf32>
    tpu.vector_store %arg3[%swap3A_17, %swap3A_18], %concatenate3A {strides = array<i32>} : memref<10240x128xf32, #tpu.memory_space<vmem>>, vector<10240x128xf32>,
    return
  }
}

module attributes {stable_mosaic.version = 14 : i64} {
  func.func @_final_body(%arg0: memref<2x10240x128xf32, #tpu.memory_space<vmem>>, %arg1: memref<10240x1xf32, #tpu.memory_space<vmem>>, %arg2: memref<128xf32, #tpu.memory_space<vmem>>, %arg3: memref<10000x128xf32, #tpu.memory_space<vmem>>) attributes {dimension_semantics = [], scalar_prefetch = 0 : i64, scratch_operands = 0 : i64, tpu.core_type = #tpu.core_type<tc>} {
    %get3A = arith.constant 0 : index
    %get3A_0 = arith.constant 0 : index
    %get3A_1 = arith.constant 0 : index
    %get3A_2 = vector.load %arg0[%get3A, %get3A_0, %get3A_1] : memref<2x10240x128xf32, #tpu.memory_space<vmem>>, vector<1x10000x128xf32>
    %get3A_3 = vector.shape_cast %get3A_2 : vector<1x10000x128xf32> to vector<10000x128xf32>
    %get3A_4 = arith.constant 1 : index
    %get3A_5 = arith.constant 0 : index
    %get3A_6 = arith.constant 0 : index
    %get3A_7 = vector.load %arg0[%get3A_4, %get3A_5, %get3A_6] : memref<2x10240x128xf32, #tpu.memory_space<vmem>>, vector<1x10000x128xf32>
    %get3A_8 = vector.shape_cast %get3A_7 : vector<1x10000x128xf32> to vector<10000x128xf32>
    %add3A = arith.addf %get3A_3, %get3A_8 : vector<10000x128xf32>
    %get3A_9 = arith.constant 0 : index
    %get3A_10 = arith.constant 0 : index
    %get3A_11 = vector.load %arg1[%get3A_9, %get3A_10] : memref<10240x1xf32, #tpu.memory_space<vmem>>, vector<10000x1xf32>
    %mul3A = vector.broadcast %get3A_11 : vector<10000x1xf32> to vector<10000x128xf32>
    %mul3A_12 = arith.mulf %add3A, %mul3A : vector<10000x128xf32>
    %get3A_13 = arith.constant 0 : index
    %get3A_14 = vector.load %arg2[%get3A_13] : memref<128xf32, #tpu.memory_space<vmem>>, vector<128xf32>
    %reshape3A = vector.shape_cast %get3A_14 : vector<128xf32> to vector<1x128xf32>
    %add3A_15 = vector.broadcast %reshape3A : vector<1x128xf32> to vector<10000x128xf32>
    %add3A_16 = arith.addf %mul3A_12, %add3A_15 : vector<10000x128xf32>
    %swap3A = arith.constant 0 : index
    %swap3A_17 = arith.constant 0 : index
    %swap3A_18 = vector.load %arg3[%swap3A, %swap3A_17] : memref<10000x128xf32, #tpu.memory_space<vmem>>, vector<10000x128xf32>
    tpu.vector_store %arg3[%swap3A, %swap3A_17], %add3A_16 {strides = array<i32>} : memref<10000x128xf32, #tpu.memory_space<vmem>>, vector<10000x128xf32>,
    return
  }
}

module attributes {stable_mosaic.version = 14 : i64} {
  func.func @_mid_body(%arg0: memref<2x10240x128xf32, #tpu.memory_space<vmem>>, %arg1: memref<10240x1xf32, #tpu.memory_space<vmem>>, %arg2: memref<128xf32, #tpu.memory_space<vmem>>, %arg3: memref<128xf32, #tpu.memory_space<vmem>>, %arg4: memref<128xf32, #tpu.memory_space<vmem>>, %arg5: memref<128x128xf32, #tpu.memory_space<vmem>>, %arg6: memref<10240x128xf32, #tpu.memory_space<vmem>>) attributes {dimension_semantics = [], scalar_prefetch = 0 : i64, scratch_operands = 0 : i64, tpu.core_type = #tpu.core_type<tc>} {
    %get3A = arith.constant 0 : index
    %get3A_0 = arith.constant 0 : index
    %get3A_1 = vector.load %arg1[%get3A, %get3A_0] : memref<10240x1xf32, #tpu.memory_space<vmem>>, vector<10000x1xf32>
    %get3A_2 = arith.constant 0 : index
    %get3A_3 = arith.constant 0 : index
    %get3A_4 = arith.constant 0 : index
    %get3A_5 = vector.load %arg0[%get3A_2, %get3A_3, %get3A_4] : memref<2x10240x128xf32, #tpu.memory_space<vmem>>, vector<1x10000x128xf32>
    %get3A_6 = vector.shape_cast %get3A_5 : vector<1x10000x128xf32> to vector<10000x128xf32>
    %get3A_7 = arith.constant 1 : index
    %get3A_8 = arith.constant 0 : index
    %get3A_9 = arith.constant 0 : index
    %get3A_10 = vector.load %arg0[%get3A_7, %get3A_8, %get3A_9] : memref<2x10240x128xf32, #tpu.memory_space<vmem>>, vector<1x10000x128xf32>
    %get3A_11 = vector.shape_cast %get3A_10 : vector<1x10000x128xf32> to vector<10000x128xf32>
    %add3A = arith.addf %get3A_6, %get3A_11 : vector<10000x128xf32>
    %mul3A = vector.broadcast %get3A_1 : vector<10000x1xf32> to vector<10000x128xf32>
    %mul3A_12 = arith.mulf %add3A, %mul3A : vector<10000x128xf32>
    %get3A_13 = arith.constant 0 : index
    %get3A_14 = vector.load %arg2[%get3A_13] : memref<128xf32, #tpu.memory_space<vmem>>, vector<128xf32>
    %reshape3A = vector.shape_cast %get3A_14 : vector<128xf32> to vector<1x128xf32>
    %add3A_15 = vector.broadcast %reshape3A : vector<1x128xf32> to vector<10000x128xf32>
    %add3A_16 = arith.addf %mul3A_12, %add3A_15 : vector<10000x128xf32>
    %reduce_sum3A = arith.constant dense<0.000000e+00> : vector<128xf32>
    %reduce_sum3A_17 = vector.multi_reduction <add>, %add3A_16, %reduce_sum3A [0] : vector<10000x128xf32> to vector<128xf32>
    %broadcast_in_dim3A = vector.shape_cast %reduce_sum3A_17 : vector<128xf32> to vector<1x128xf32>
    %div3A = arith.constant 1.000000e+04 : f32
    %div3A_18 = vector.broadcast %div3A : f32 to vector<1x128xf32>
    %div3A_19 = arith.divf %broadcast_in_dim3A, %div3A_18 : vector<1x128xf32>
    %sub3A = vector.broadcast %div3A_19 : vector<1x128xf32> to vector<10000x128xf32>
    %sub3A_20 = arith.subf %add3A_16, %sub3A : vector<10000x128xf32>
    %mul3A_21 = arith.mulf %sub3A_20, %sub3A_20 : vector<10000x128xf32>
    %reduce_sum3A_22 = arith.constant dense<0.000000e+00> : vector<128xf32>
    %reduce_sum3A_23 = vector.multi_reduction <add>, %mul3A_21, %reduce_sum3A_22 [0] : vector<10000x128xf32> to vector<128xf32>
    %broadcast_in_dim3A_24 = vector.shape_cast %reduce_sum3A_23 : vector<128xf32> to vector<1x128xf32>
    %div3A_25 = arith.constant 1.000000e+04 : f32
    %div3A_26 = vector.broadcast %div3A_25 : f32 to vector<1x128xf32>
    %div3A_27 = arith.divf %broadcast_in_dim3A_24, %div3A_26 : vector<1x128xf32>
    %add3A_28 = arith.constant 9.99999974E-6 : f32
    %add3A_29 = vector.broadcast %add3A_28 : f32 to vector<1x128xf32>
    %add3A_30 = arith.addf %div3A_27, %add3A_29 : vector<1x128xf32>
    %rsqrt3A = math.rsqrt %add3A_30 : vector<1x128xf32>
    %mul3A_31 = vector.broadcast %rsqrt3A : vector<1x128xf32> to vector<10000x128xf32>
    %mul3A_32 = arith.mulf %sub3A_20, %mul3A_31 : vector<10000x128xf32>
    %get3A_33 = arith.constant 0 : index
    %get3A_34 = vector.load %arg3[%get3A_33] : memref<128xf32, #tpu.memory_space<vmem>>, vector<128xf32>
    %reshape3A_35 = vector.shape_cast %get3A_34 : vector<128xf32> to vector<1x128xf32>
    %mul3A_36 = vector.broadcast %reshape3A_35 : vector<1x128xf32> to vector<10000x128xf32>
    %mul3A_37 = arith.mulf %mul3A_32, %mul3A_36 : vector<10000x128xf32>
    %get3A_38 = arith.constant 0 : index
    %get3A_39 = vector.load %arg4[%get3A_38] : memref<128xf32, #tpu.memory_space<vmem>>, vector<128xf32>
    %reshape3A_40 = vector.shape_cast %get3A_39 : vector<128xf32> to vector<1x128xf32>
    %add3A_41 = vector.broadcast %reshape3A_40 : vector<1x128xf32> to vector<10000x128xf32>
    %add3A_42 = arith.addf %mul3A_37, %add3A_41 : vector<10000x128xf32>
    %max3A = arith.constant 0.000000e+00 : f32
    %max3A_43 = vector.broadcast %max3A : f32 to vector<10000x128xf32>
    %max3A_44 = arith.maximumf %add3A_42, %max3A_43 : vector<10000x128xf32>
    %get3A_45 = arith.constant 0 : index
    %get3A_46 = arith.constant 0 : index
    %get3A_47 = vector.load %arg5[%get3A_45, %get3A_46] : memref<128x128xf32, #tpu.memory_space<vmem>>, vector<128x128xf32>
    %dot_general3A = arith.constant dense<0.000000e+00> : vector<10000x128xf32>
    %dot_general3A_48 = tpu.matmul %max3A_44, %get3A_47, %dot_general3A {dimension_numbers = #tpu.dot_dimension_numbers<[1], [0], [0], [1], [0, 0, 1, 1], [], []>, transpose_lhs_hint = false} : vector<10000x128xf32>, vector<128x128xf32>, vector<10000x128xf32> -> vector<10000x128xf32>
    %mul3A_49 = vector.broadcast %get3A_1 : vector<10000x1xf32> to vector<10000x128xf32>
    %mul3A_50 = arith.mulf %dot_general3A_48, %mul3A_49 : vector<10000x128xf32>
    %broadcast_in_dim3A_51 = arith.constant 0.000000e+00 : f32
    %broadcast_in_dim3A_52 = vector.broadcast %broadcast_in_dim3A_51 : f32 to vector<240x128xf32>
    %concatenate3A = tpu.concatenate %mul3A_50, %broadcast_in_dim3A_52 in 0 : vector<10000x128xf32>, vector<240x128xf32> -> vector<10240x128xf32>
    %swap3A = arith.constant 0 : index
    %swap3A_53 = arith.constant 0 : index
    %swap3A_54 = vector.load %arg6[%swap3A, %swap3A_53] : memref<10240x128xf32, #tpu.memory_space<vmem>>, vector<10240x128xf32>
    tpu.vector_store %arg6[%swap3A, %swap3A_53], %concatenate3A {strides = array<i32>} : memref<10240x128xf32, #tpu.memory_space<vmem>>, vector<10240x128xf32>,
    return
  }
}

</mosaic_0001>

<sc_bundles>
// kernel: kernel.11.cloned.1.call-start
scs
__scs_entry_jumppad:
0x0: {  	(pc) =	sbr.rel $0x88, $3  }
0x1: {  	(tag) =	ssettag $0x0;
	lr =	simm.s32 $0x1  }
0x2: {  	[smem:$0x3F99] =	sst lr;
	_ =	strace $0xD0000000  }
0x3: {  	_ = 	snop  }
0x4: {  	_ = 	snop  }
0x5: {  	_ = 	snop  }
0x6: {  	_ = 	snop  }
0x7: {  	_ = 	snop  }
__scs_overlays_trampoline_lowered:
0x8: {  	[smem:$0x3FA8] =	sst s0  }
0x9: {  	[smem:$0x3FA9] =	sst s1  }
0xa: {  	[smem:$0x3FAA] =	sst s2  }
0xb: {  	[smem:$0x3FAB] =	sst s3  }
0xc: {  	[smem:$0x3FAC] =	sst s4  }
0xd: {  	[smem:$0x3FAD] =	sst s5  }
0xe: {  	[smem:$0x3FAE] =	sst s6  }
0xf: {  	[smem:$0x3FAF] =	sst s7  }
0x10: {  	[smem:$0x3FB0] =	sst s8  }
0x11: {  	[smem:$0x3FB1] =	sst s9;
	s0 =	simm.s32 @!p0 $0x0  }
0x12: {  	s1 =	sld [smem:$0x3F97];
	s0 =	simm.s32 @p0 $0x1  }
0x13: {  	[smem:$0x3FB2] =	sst s0;
	s0 =	simm.s32 @!p1 $0x0  }
0x14: {  	s2 =	sld [smem:$0x3F96];
	s0 =	simm.s32 @p1 $0x1  }
0x15: {  	[smem:$0x3FB3] =	sst s0;
	s0 =	simm.s32 @!p2 $0x0  }
0x16: {  	s3 =	sld [smem:$0x3FDB];
	s0 =	simm.s32 @p2 $0x1  }
0x17: {  	s4 =	simm.s32 $0x1BF5;
	[smem:$0x3FB5] =	sst s0  }
0x18: {  	s0 =	sld [smem:$0x3F98];
	_ =	swait.ge [sflag:s4], $0x0  }
0x19: {  	s7 =	sld [smem:$0x3F99]  }
0x1a: {  	s8 =	sadd.s32 $0xFFFFE003, lr  }
0x1b: {  	s9 =	sadd.s32 $0xFFFFFEF7, lr;
	s5 =	simm.s32 $0xFFFFFFFF;
	p2 =	slt.u32 s8, $0xFFFFF086  }
0x1c: {  	p1 =	slt.u32 s9, $0xF7A;
	s5 =	simm.s32 @!p2 $0x0  }
0x1d: {  	s5 =	simm.s32 @p1 $0x1;
	p0 =	seq.s32 s7, s2  }
0x1e: {  	s7 =	smul.u32 @!p0 $0xF7A, s2;
	p2 =	seq.s32 @!p0 s5, $0x0  }
0x1f: {  	s9 =	smul.u32 $0xF7A, s1;
	s8 =	simm.s32 @!p0 $0x1BF5;
	p2 =	por !p2, p0  }
0x20: {  	[sflag:s8] =	ssyncset.s32 @!p0 $0xFFFFF086;
	s6 =	sadd.s32 @!p0 s3, s7;
	s7 =	simm.s32 @!p0 $0x108  }
0x21: {  	s3 =	sadd.s32 s3, s9;
	s6 =	sadd.s32 @!p0 $0x88, s6;
	s7 =	simm.s32 @p2 $0x1082  }
0x22: {  	[simem:s7], [sflag:s8] =	dma.local @!p0 [hbm:s6], $0xF7A  }
0x23: {  	s9 =	sor.u32 $0xD0000000, s2;
	s6 =	simm.s32 $0x108;
	_ =	swait.ge @!p0 [sflag:s8], $0x0  }
0x24: {  	s3 =	sadd.s32 $0x88, s3;
	s6 =	simm.s32 @!p1 $0x1082;
	[sflag:s4] =	ssyncset.s32 $0xFFFFF086  }
0x25: {  	[simem:s6], [sflag:s4] =	dma.local [hbm:s3], $0xF7A  }
0x26: {  	[smem:$0x3F99] =	sst s1;
	(tag) =	ssettag s2;
	_ =	strace s9  }
0x27: {  	s1 =	sld [smem:$0x3FA9]  }
0x28: {  	s2 =	sld [smem:$0x3FAA]  }
0x29: {  	s4 =	sld [smem:$0x3FAC]  }
0x2a: {  	p0 =	seq.s32 s5, $0x0;
	s5 =	sld [smem:$0x3FAD]  }
0x2b: {  	s6 =	sld [smem:$0x3FAE]  }
0x2c: {  	s7 =	sld [smem:$0x3FAF]  }
0x2d: {  	s3 =	simm.s32 $0x108;
	s8 =	sld [smem:$0x3FB0]  }
0x2e: {  	s3 =	simm.s32 @!p0 $0x1082;
	s9 =	sld [smem:$0x3FB1]  }
0x2f: {  	lr =	sadd.s32 s0, s3;
	s0 =	sld [smem:$0x3FA8]  }
0x30: {  	s3 =	sld [smem:$0x3FAB]  }
0x31: {  	[smem:$0x3FB4] =	sst s10  }
0x32: {  	s10 =	sld [smem:$0x3FB2];
	_ =	sdelay $0x3  }
0x33: {  	p0 =	seq.s32 s10, $0x1;
	s10 =	sld [smem:$0x3FB4];
	_ =	sdelay $0x3  }
0x34: {  	[smem:$0x3FB4] =	sst s10  }
0x35: {  	s10 =	sld [smem:$0x3FB3];
	_ =	sdelay $0x3  }
0x36: {  	p1 =	seq.s32 s10, $0x1;
	s10 =	sld [smem:$0x3FB4];
	_ =	sdelay $0x3  }
0x37: {  	[smem:$0x3FB4] =	sst s10  }
0x38: {  	s10 =	sld [smem:$0x3FB5]  }
0x39: {  	_ = 	snop;
	(pc) =	sbr.ind lr, $3  }
0x3a: {  	_ = 	snop  }
0x3b: {  	_ = 	snop  }
0x3c: {  	p2 =	seq.s32 s10, $0x1;
	s10 =	sld [smem:$0x3FB4]  }
0x3d: {  	_ =	shalt  }
0x3e: {  	_ =	shalt  }
0x3f: {  	_ =	shalt  }
0x40: {  	_ =	shalt  }
0x41: {  	_ =	shalt  }
0x42: {  	_ =	shalt  }
0x43: {  	_ =	shalt  }
0x44: {  	_ =	shalt  }
0x45: {  	_ =	shalt  }
0x46: {  	_ =	shalt  }
0x47: {  	_ =	shalt  }
0x48: {  	_ =	shalt  }
0x49: {  	_ =	shalt  }
0x4a: {  	_ =	shalt  }
0x4b: {  	_ =	shalt  }
0x4c: {  	_ =	shalt  }
0x4d: {  	_ =	shalt  }
0x4e: {  	_ =	shalt  }
0x4f: {  	_ =	shalt  }
0x50: {  	_ =	shalt  }
0x51: {  	_ =	shalt  }
0x52: {  	_ =	shalt  }
0x53: {  	_ =	shalt  }
0x54: {  	_ =	shalt  }
0x55: {  	_ =	shalt  }
0x56: {  	_ =	shalt  }
0x57: {  	_ =	shalt  }
0x58: {  	_ =	shalt  }
0x59: {  	_ =	shalt  }
0x5a: {  	_ =	shalt  }
0x5b: {  	_ =	shalt  }
0x5c: {  	_ =	shalt  }
0x5d: {  	_ =	shalt  }
0x5e: {  	_ =	shalt  }
0x5f: {  	_ =	shalt  }
0x60: {  	_ =	shalt  }
0x61: {  	_ =	shalt  }
0x62: {  	_ =	shalt  }
0x63: {  	_ =	shalt  }
0x64: {  	_ =	shalt  }
0x65: {  	_ =	shalt  }
0x66: {  	_ =	shalt  }
0x67: {  	_ =	shalt  }
0x68: {  	_ =	shalt  }
0x69: {  	_ =	shalt  }
0x6a: {  	_ =	shalt  }
0x6b: {  	_ =	shalt  }
0x6c: {  	_ =	shalt  }
0x6d: {  	_ =	shalt  }
0x6e: {  	_ =	shalt  }
0x6f: {  	_ =	shalt  }
0x70: {  	_ =	shalt  }
0x71: {  	_ =	shalt  }
0x72: {  	_ =	shalt  }
0x73: {  	_ =	shalt  }
0x74: {  	_ =	shalt  }
0x75: {  	_ =	shalt  }
0x76: {  	_ =	shalt  }
0x77: {  	_ =	shalt  }
0x78: {  	_ =	shalt  }
0x79: {  	_ =	shalt  }
0x7a: {  	_ =	shalt  }
0x7b: {  	_ =	shalt  }
0x7c: {  	_ =	shalt  }
0x7d: {  	_ =	shalt  }
0x7e: {  	_ =	shalt  }
0x7f: {  	_ =	shalt  }
0x80: {  	_ =	shalt  }
0x81: {  	_ =	shalt  }
0x82: {  	_ =	shalt  }
0x83: {  	_ =	shalt  }
0x84: {  	_ =	shalt  }
0x85: {  	_ =	shalt  }
0x86: {  	_ =	shalt  }
0x87: {  	_ =	shalt  }
.Lfunc_end0:
.L_simem_size_0:
called_computation.1_lowered:
.L_overlay_start_0:
0x88: {  	s2 =	sld [smem:$0x3FD9]  }
0x89: {  	s3 =	sld [smem:$0x3FFE];
	_ =	sdelay $0x1  }
0x8a: {  	s1 =	srdreg.scid  }
0x8b: {  	s0 =	sand.u32 $0x1, s1  }
0x8c: {  	s17 =	sshll.u32 s0, $0xA;
	s2 =	sadd.s32 s3, s2  }
0x8d: {  	s2 =	sadd.s32 s2, s17  }
0x8e: {  	[smem:$0x3FC0] =	sst s2  }
0x8f: {  	_ = 	snop  }
0x90: {  	s2 =	sld [smem:$0x3FD0];
	(tm) =	ssettm $0x1  }
0x91: {  	s18 =	sld [smem:$0x3FFB];
	_ =	sdelay $0x3  }
0x92: {  	_ =	strace s18  }
0x93: {  	s3 =	sld [smem:$0x3FFC];
	_ =	sdelay $0x3  }
0x94: {  	_ =	strace s3  }
0x95: {  	s3 =	sld [smem:$0x3FFD];
	_ =	sdelay $0x3  }
0x96: {  	_ =	strace s3  }
0x97: {  	_ =	strace $0x8FFFFFFF  }
0x98: {  	s19 =	sld [smem:$0x3FDB];
	_ =	sdelay $0x1  }
0x99: {  	s4 =	simm.s32 $_scs_section_size  }
0x9a: {  	s5 =	simm.s32 $_size__tile_overlayer_lowered;
	s6 =	simm.s32 $_tile_overlayer_lowered  }
0x9b: {  	s22 =	simm.s32 $0x1BFF;
	s21 =	sshll.u32 s6, $0x1;
	s3 =	sadd.s32 s4, s19  }
0x9c: {  	s7 =	simm.s32 $0x0;
	s20 =	sshll.u32 s5, $0x1;
	s5 =	sadd.s32 s21, s3  }
0x9d: {  	[timem:s7], [sflag:s22] =	dma.local [hbm:s5], s20  }
0x9e: {  	_ =	swait.ge [sflag:s22], s20  }
0x9f: {  	s4 =	ssub.s32 $0x0, s20;
	[sflag:s22] =	ssyncset.done $0x0  }
0xa0: {  	[sflag:s22] =	ssyncadd.s32 s4;
	_ =	sdelay $0x1  }
0xa1: {  	s23 =	simm.s32 $0x1B8B  }
0xa2: {  	_ =	swait.ge [sflag:s23], $0x1  }
0xa3: {  	[sflag:s23] =	ssyncset.done $0x0  }
0xa4: {  	s25 =	simm.s32 $0x1B8E;
	s24 =	sld [smem:$0x3FFE];
	[sflag:s23] =	ssyncadd.s32 $0xFFFFFFFF  }
0xa5: {  	s26 =	simm.s32 $execute0_lowered;
	[smem:$0x3FD2] =	sst s25  }
0xa6: {  	s5 =	sshll.u32 s26, $0x1;
	_ =	strace $0x80000049;
	[dreg:$0x1] =	wrdreg $0xFFFFFFFF  }
0xa7: {  	s28 =	simm.s32 $_size_execute0_lowered;
	s3 =	sadd.s32 s3, s5;
	[dreg:$0x0] =	wrdreg $0x0  }
0xa8: {  	s5 =	sshll.u32 s28, $0x1;
	[dreg:$0x2] =	wrdreg s3  }
0xa9: {  	[dreg:$0x3] =	wrdreg s5  }
0xaa: {  	[dreg:$0x4] =	wrdreg $0xC0  }
0xab: {  	_ =	task [dreg:s7], $0x5FFFF  }
0xac: {  	[dreg:$0x1] =	wrdreg $0xFFFFFFFF  }
0xad: {  	[dreg:$0x0] =	wrdreg $0x60  }
0xae: {  	[dreg:$0x2] =	wrdreg s24  }
0xaf: {  	[dreg:$0x3] =	wrdreg s2  }
0xb0: {  	[dreg:$0x4] =	wrdreg $0x90000  }
0xb1: {  	[dreg:$0x5] =	wrdreg $0x9  }
0xb2: {  	_ =	task.clear_ibuf [dreg:s7], $0x6FFFF;
	_ =	strace $0x90000049  }
0xb3: {  	s29 =	simm.s32 $0x9;
	_ =	strace $0x8000004B  }
0xb4: {  	_ =	swait.ge [sflag:s29], $0x1  }
0xb5: {  	[sflag:s29] =	ssyncadd.s32 $0xFFFFFFFF  }
0xb6: {  	_ =	strace $0x9000004B  }
0xb7: {  	_ =	sfence  }
0xb8: {  	s30 =	sld [smem:$0x0];
	_ =	sdelay $0x2  }
0xb9: {  	s31 =	sshll.u32 s1, $0xD;
	s1 =	sshrl.u32 s1, $0x2  }
0xba: {  	s3 =	sand.u32 $0x4000, s31;
	s1 =	sadd.s32 s1, s30  }
0xbb: {  	s0 =	sor.u32 s3, s0;
	s1 =	sshll.u32 s1, $0x11  }
0xbc: {  	s0 =	sor.u32 s1, s0  }
0xbd: {  	s0 =	sadd.s32 $0x8F2B, s0  }
0xbe: {  	[sflag:s0] =	ssyncadd.remote.s32 $0x1  }
0xbf: {  	_ =	sfence.sel $0xFFFF  }
0xc0: {  	[dreg:$0x0] =	wrdreg $0xFFFFFFFF;
	(pc) =	sbr.abs _section_cstart, $3  }
0xc1: {  	[dreg:$0x1] =	wrdreg $0xFFFFFFFF  }
0xc2: {  	_ =	task.clear_ibuf [dreg:s7], $0x2FFFF;
	_ =	strace $0x9FFFFFFF  }
0xc3: {  	(tm) =	ssettm $0x7FFFFFFF  }
tec
execute0_lowered:
.L_overlay_start_1:
0x0: {  	(tag) =	ssettag $0x1  }
0x1: {  	s5 =	rddreg [dreg:$0x0]  }
0x2: {  	s6 =	rddreg [dreg:$0x1]  }
0x3: {  	s0 =	srdreg.scid;
	s2 =	rddreg [dreg:$0x2]  }
0x4: {  	s3 =	simm.s32 $0x0;
	s16 =	simm.s32 $0x2800;
	s17 =	simm.s32 $0x5000  }
0x5: {  	s18 =	simm.s32 $0x80;
	s19 =	simm.s32 $0x1;
	s7 =	sand.u32 $0x1, s0  }
0x6: {  	s22 =	simm.s32 $0x0;
	s0 =	stileid.u32;
	s9 =	smul.u32 $0x140000, s7  }
0x7: {  	[smem:$0x7FF] =	sst s3;
	s4 =	sadd.s32 $0xCE00, s5;
	s10 =	smul.u32 $0x14000, s0  }
0x8: {  	s1 =	sshll.u32 s7, $0x4;
	s29 =	ssub.s32 $0x2, s7;
	s13 =	smul.u32 $0x50000, s0  }
0x9: {  	s30 =	smul.u32 $0x2800, s0;
	p0 =	seq.s32 s7, $0x1;
	s20 =	sshll.u32 s0, $0x6  }
0xa: {  	s1 =	sor.u32 s0, s1;
	s12 =	sshrl.u32 s29, $0x1;
	s20 =	sor.u32 $0x1C02, s20  }
0xb: {  	s8 =	smul.u32 $0x500, s1;
	s1 =	rddreg [dreg:$0x3];
	_ =	strace $0x8000004A  }
0xc: {  	s9 =	sadd.s32 s10, s9;
	s15 =	ssub.s32 s29, s12;
	s31 =	sshrl.u32 s13, $0x2  }
0xd: {  	s9 =	sshrl.u32 s9, $0x3;
	s7 =	sadd.s32 s31, s2;
	s11 =	sadd.s32 s8, s5  }
0xe: {  	s14 =	sadd.s32 s9, s5;
	s6 =	sadd.s32 s6, s8;
	s8 =	sadd.s32 s4, s30  }
0xf: {  	s9 =	sadd.s32 $0x4000, s7;
	s10 =	sadd.s32 $0x8000, s7;
	s12 =	sadd.s32 $0x10000, s7  }
0x10: {  	s21 =	sshrl.u32 s7, $0x3;
	s5 =	sadd.s32 $0x2E00, s11;
	s11 =	sadd.s32 $0xC000, s7  }
0x11: {  	v0 =	vimm.f32 $0.0e+00;
	s13 =	sadd.s32 $0x34E00, s14;
	s14 =	smax.u32 s15, $0x1;
	s15 =	simm.s32 $0x2  }
.LBB2_1:
0x12: {  	[tilespmem:s3], [sflag:$0x2] =	stream.linear.gather [hbm4b:s5+s3], $0x2780, $0x38;
	[tilespmem:$0x1D000] =	vst v63  }
0x13: {  	_ =	swait.ge [sflag:s15], $0x2780  }
0x14: {  	[sflag:s15] =	ssyncset.done $0x0  }
.Ltmp0:
0x15: {  	[sflag:s15] =	ssyncadd.s32 $0xFFFFD880;
	(pc) =	sbr.rel @!p0 .LBB2_2-.Ltmp0, $4  }
0x16: {  	[tilespmem:s16], [sflag:$0x2] =	stream.linear.gather [hbm4b:s6+s3], $0x2780, $0x38;
	[tilespmem:$0x1D000] =	vst v63  }
0x17: {  	_ =	swait.ge [sflag:s15], $0x2780  }
0x18: {  	[sflag:s15] =	ssyncset.done $0x0  }
0x19: {  	[sflag:s15] =	ssyncadd.s32 $0xFFFFD880  }
0x1a: {  	s23 =	sand.u32 $0xFE00, s3  }
0x1b: {  	s24 =	sand.u32 $0x70, s3;
	s25 =	sshrl.u32 s23, $0x2  }
0x1c: {  	s23 =	simm.s32 $0x40;
	s25 =	sor.u32 s24, s25;
	s24 =	simm.s32 $0x0  }
.LBB2_4:
0x1d: {  	p1 =	sne.s32 s23, $0xFFC0  }
0x1e: {  	[tilespmem:s25+$0x5000] =	vst v0;
	s24 =	sadd.s32 $0x10, s24;
	s25 =	smov.u32 s23;
	s23 =	sadd.s32 $0x40, s23  }
.Ltmp1:
0x1f: {  	(pc) =	sbr.rel @p1 .LBB2_4-.Ltmp1, $4  }
0x20: {  	_ = 	snop  }
0x21: {  	s25 =	sand.u32 $0xFE00, s25  }
0x22: {  	s26 =	sand.u32 $0x70, s24;
	s25 =	sshrl.u32 s25, $0x2  }
0x23: {  	s25 =	sor.u32 s26, s25  }
0x24: {  	[tilespmem:s25+$0x5000] =	vst v0  }
0x25: {  	[spmem:s7] =	stream.linear.scatter [tilespmem:s17], [sflag:$0x2], $0x4000, $0x38;
	[tilespmem:$0x1D000] =	vst v63  }
0x26: {  	_ =	swait.ge [sflag:s15], $0x4000  }
0x27: {  	[sflag:s15] =	ssyncset.done $0x0  }
0x28: {  	[sflag:s15] =	ssyncadd.s32 $0xFFFFC000  }
0x29: {  	[spmem:s9] =	stream.linear.scatter [tilespmem:s17], [sflag:$0x2], $0x4000, $0x38;
	[tilespmem:$0x1D000] =	vst v63  }
0x2a: {  	_ =	swait.ge [sflag:s15], $0x4000  }
0x2b: {  	[sflag:s15] =	ssyncset.done $0x0  }
0x2c: {  	[sflag:s15] =	ssyncadd.s32 $0xFFFFC000  }
0x2d: {  	[spmem:s10] =	stream.linear.scatter [tilespmem:s17], [sflag:$0x2], $0x4000, $0x38;
	[tilespmem:$0x1D000] =	vst v63  }
0x2e: {  	_ =	swait.ge [sflag:s15], $0x4000  }
0x2f: {  	[sflag:s15] =	ssyncset.done $0x0  }
0x30: {  	[sflag:s15] =	ssyncadd.s32 $0xFFFFC000  }
0x31: {  	[spmem:s11] =	stream.linear.scatter [tilespmem:s17], [sflag:$0x2], $0x4000, $0x38;
	[tilespmem:$0x1D000] =	vst v63  }
0x32: {  	_ =	swait.ge [sflag:s15], $0x4000  }
0x33: {  	[sflag:s15] =	ssyncset.done $0x0  }
.Ltmp2:
0x34: {  	[sflag:s15] =	ssyncadd.s32 $0xFFFFC000;
	(pc) =	sbr.rel .LBB2_6-.Ltmp2, $4  }
0x35: {  	[spmem:s12] =	stream.linear.scatter [tilespmem:s17], [sflag:$0x2], $0x4000, $0x38;
	[tilespmem:$0x1D000] =	vst v63  }
0x36: {  	_ =	swait.ge [sflag:s15], $0x4000  }
0x37: {  	[sflag:s15] =	ssyncset.done $0x0  }
0x38: {  	[sflag:s15] =	ssyncadd.s32 $0xFFFFC000  }
.LBB2_2:
0x39: {  	[spmem:s21], [sflag:s20] =	dma.local [hbm:s8], $0x2800  }
0x3a: {  	_ =	swait.ge [sflag:s15], $0x2800  }
0x3b: {  	[sflag:s15] =	ssyncset.done $0x0  }
0x3c: {  	[sflag:s15] =	ssyncadd.s32 $0xFFFFD800  }
.LBB2_6:
0x3d: {  	[bflag:$0x0] =	sbarrier.arrive $0xFFFF;
	s23 =	simm.s32 $0x0  }
0x3e: {  	[tilespmem:s17], [sflag:$0x1] =	stream.indirect.gather [hbm4b:s4+s18], $0x80, s23, s18, $0xb8;
	[tilespmem:$0x1D000] =	vst v63  }
0x3f: {  	_ =	swait.ge [sflag:s19], $0x4000  }
0x40: {  	[sflag:s19] =	ssyncset.done $0x0  }
0x41: {  	s31 =	simm.s32 $0x2800;
	[sflag:s19] =	ssyncadd.s32 $0xFFFFC000  }
0x42: {  	[spmem:s2] =	stream.indirect.scatter.add.f32 [tilespmem:s17], [sflag:$0x2], $0x80, s31, s18, $0xb8;
	[tilespmem:$0x1D000] =	vst v63  }
0x43: {  	_ =	swait.ge [sflag:s15], $0x4000  }
0x44: {  	s24 =	simm.s32 $0x400;
	s23 =	simm.s32 $0x200;
	[sflag:s15] =	ssyncset.done $0x0  }
.LBB2_7:
0x45: {  	s25 =	sshra.s32 s23, $0x2  }
0x46: {  	[sflag:s15] =	ssyncadd.s32 $0xFFFFC000;
	s23 =	smov.u32 s24;
	s26 =	sadd.s32 $0x200, s24  }
0x47: {  	[tilespmem:s17], [sflag:$0x1] =	stream.indirect.gather [hbm4b:s4+s18], $0x80, s25, s18, $0xb8;
	[tilespmem:$0x1D000] =	vst v63  }
0x48: {  	p1 =	sne.s32 s24, $0x9C00;
	_ =	swait.ge [sflag:s19], $0x4000  }
.Ltmp3:
0x49: {  	[sflag:s19] =	ssyncset.done $0x0;
	(pc) =	sbr.rel @p1 .LBB2_7-.Ltmp3, $4  }
0x4a: {  	s24 =	sadd.s32 $0x2800, s25;
	[sflag:s19] =	ssyncadd.s32 $0xFFFFC000  }
0x4b: {  	[spmem:s2] =	stream.indirect.scatter.add.f32 [tilespmem:s17], [sflag:$0x2], $0x80, s24, s18, $0xb8;
	[tilespmem:$0x1D000] =	vst v63  }
0x4c: {  	_ =	swait.ge [sflag:s15], $0x4000  }
0x4d: {  	s24 =	smov.u32 s26;
	[sflag:s15] =	ssyncset.done $0x0  }
0x4e: {  	s23 =	sshra.s32 s23, $0x2;
	[sflag:s15] =	ssyncadd.s32 $0xFFFFC000  }
0x4f: {  	[tilespmem:s17], [sflag:$0x1] =	stream.indirect.gather [hbm4b:s4+s18], $0x80, s23, s18, $0xb8;
	[tilespmem:$0x1D000] =	vst v63  }
0x50: {  	_ =	swait.ge [sflag:s19], $0x4000  }
0x51: {  	[sflag:s19] =	ssyncset.done $0x0  }
0x52: {  	s23 =	sadd.s32 $0x2800, s23;
	[sflag:s19] =	ssyncadd.s32 $0xFFFFC000  }
0x53: {  	[spmem:s2] =	stream.indirect.scatter.add.f32 [tilespmem:s17], [sflag:$0x2], $0x80, s23, s18, $0xb8;
	[tilespmem:$0x1D000] =	vst v63  }
0x54: {  	_ =	swait.ge [sflag:s15], $0x4000  }
0x55: {  	s22 =	sadd.s32 $0x1, s22;
	[sflag:s15] =	ssyncset.done $0x0  }
0x56: {  	p1 =	sne.s32 s22, s14;
	[sflag:s15] =	ssyncadd.s32 $0xFFFFC000  }
.Ltmp4:
0x57: {  	[bflag:$0x0] =	sbarrier.arrive $0xFFFF;
	(pc) =	sbr.rel @p1 .LBB2_1-.Ltmp4, $4  }
0x58: {  	[hbm:s13], [sflag:s20] =	dma.local [spmem:s21], $0x2800  }
0x59: {  	_ =	swait.ge [sflag:s15], $0x2800  }
0x5a: {  	[sflag:s15] =	ssyncset.done $0x0  }
0x5b: {  	[sflag:s15] =	ssyncadd.s32 $0xFFFFD800  }
0x5c: {  	_ =	sfence.sel $0x180000  }
0x5d: {  	[bflag:$0x0] =	sbarrier.arrive $0xFFFF  }
0x5e: {  	p0 =	sne.s32 s0, $0x0;
	_ =	strace $0x9000004A  }
0x5f: {  	s0 =	sadd.s32 @!p0 $0x100000, s1;
	[bflag:$0x2] =	sbarrier.arrive $0xFFFF  }
0x60: {  	[sflag:s0] =	ssyncadd.tile.s32 @!p0 $0x1;
	_ =	shalt  }
.Lfunc_end2:
_tile_overlayer_lowered:
.L_overlay_start_2:
0x61: {  	(tag) =	ssettag $0x2  }
0x62: {  	s0 =	rddreg [dreg:$0x0];
	s2 =	stileid.u32  }
0x63: {  	s1 =	rddreg [dreg:$0x1];
	p0 =	sne.s32 s2, $0x0  }
0x64: {  	s3 =	rddreg [dreg:$0x2];
	[bflag:$0x3] =	sbarrier.arrive $0xFFFF;
	s2 =	simm.s32 @!p0 $0x1C02  }
0x65: {  	[timem:s3], [sflag:s2] =	dma.local @!p0 [hbm:s0], s1  }
0x66: {  	s0 =	simm.s32 @!p0 $0x2  }
0x67: {  	_ =	swait.ge @!p0 [sflag:s0], s1  }
0x68: {  	s1 =	ssub.s32 @!p0 $0x0, s1;
	[sflag:s0] =	ssyncset.done @!p0 $0x0  }
0x69: {  	[sflag:s0] =	ssyncadd.s32 @!p0 s1  }
0x6a: {  	[bflag:$0x3] =	sbarrier.arrive $0xFFFF  }
0x6b: {  	_ =	shalt  }

// kernel: kernel.14.cloned.1.call-start
scs
__scs_entry_jumppad:
0x0: {  	(pc) =	sbr.rel $0x88, $3  }
0x1: {  	(tag) =	ssettag $0x0;
	lr =	simm.s32 $0x1  }
0x2: {  	[smem:$0x3F99] =	sst lr;
	_ =	strace $0xD0000000  }
0x3: {  	_ = 	snop  }
0x4: {  	_ = 	snop  }
0x5: {  	_ = 	snop  }
0x6: {  	_ = 	snop  }
0x7: {  	_ = 	snop  }
__scs_overlays_trampoline_lowered:
0x8: {  	[smem:$0x3FA8] =	sst s0  }
0x9: {  	[smem:$0x3FA9] =	sst s1  }
0xa: {  	[smem:$0x3FAA] =	sst s2  }
0xb: {  	[smem:$0x3FAB] =	sst s3  }
0xc: {  	[smem:$0x3FAC] =	sst s4  }
0xd: {  	[smem:$0x3FAD] =	sst s5  }
0xe: {  	[smem:$0x3FAE] =	sst s6  }
0xf: {  	[smem:$0x3FAF] =	sst s7  }
0x10: {  	[smem:$0x3FB0] =	sst s8  }
0x11: {  	[smem:$0x3FB1] =	sst s9;
	s0 =	simm.s32 @!p0 $0x0  }
0x12: {  	s1 =	sld [smem:$0x3F97];
	s0 =	simm.s32 @p0 $0x1  }
0x13: {  	[smem:$0x3FB2] =	sst s0;
	s0 =	simm.s32 @!p1 $0x0  }
0x14: {  	s2 =	sld [smem:$0x3F96];
	s0 =	simm.s32 @p1 $0x1  }
0x15: {  	[smem:$0x3FB3] =	sst s0;
	s0 =	simm.s32 @!p2 $0x0  }
0x16: {  	s3 =	sld [smem:$0x3FDB];
	s0 =	simm.s32 @p2 $0x1  }
0x17: {  	s4 =	simm.s32 $0x1BF5;
	[smem:$0x3FB5] =	sst s0  }
0x18: {  	s0 =	sld [smem:$0x3F98];
	_ =	swait.ge [sflag:s4], $0x0  }
0x19: {  	s7 =	sld [smem:$0x3F99]  }
0x1a: {  	s8 =	sadd.s32 $0xFFFFE003, lr  }
0x1b: {  	s9 =	sadd.s32 $0xFFFFFEF7, lr;
	s5 =	simm.s32 $0xFFFFFFFF;
	p2 =	slt.u32 s8, $0xFFFFF086  }
0x1c: {  	p1 =	slt.u32 s9, $0xF7A;
	s5 =	simm.s32 @!p2 $0x0  }
0x1d: {  	s5 =	simm.s32 @p1 $0x1;
	p0 =	seq.s32 s7, s2  }
0x1e: {  	s7 =	smul.u32 @!p0 $0xF7A, s2;
	p2 =	seq.s32 @!p0 s5, $0x0  }
0x1f: {  	s9 =	smul.u32 $0xF7A, s1;
	s8 =	simm.s32 @!p0 $0x1BF5;
	p2 =	por !p2, p0  }
0x20: {  	[sflag:s8] =	ssyncset.s32 @!p0 $0xFFFFF086;
	s6 =	sadd.s32 @!p0 s3, s7;
	s7 =	simm.s32 @!p0 $0x108  }
0x21: {  	s3 =	sadd.s32 s3, s9;
	s6 =	sadd.s32 @!p0 $0x88, s6;
	s7 =	simm.s32 @p2 $0x1082  }
0x22: {  	[simem:s7], [sflag:s8] =	dma.local @!p0 [hbm:s6], $0xF7A  }
0x23: {  	s9 =	sor.u32 $0xD0000000, s2;
	s6 =	simm.s32 $0x108;
	_ =	swait.ge @!p0 [sflag:s8], $0x0  }
0x24: {  	s3 =	sadd.s32 $0x88, s3;
	s6 =	simm.s32 @!p1 $0x1082;
	[sflag:s4] =	ssyncset.s32 $0xFFFFF086  }
0x25: {  	[simem:s6], [sflag:s4] =	dma.local [hbm:s3], $0xF7A  }
0x26: {  	[smem:$0x3F99] =	sst s1;
	(tag) =	ssettag s2;
	_ =	strace s9  }
0x27: {  	s1 =	sld [smem:$0x3FA9]  }
0x28: {  	s2 =	sld [smem:$0x3FAA]  }
0x29: {  	s4 =	sld [smem:$0x3FAC]  }
0x2a: {  	p0 =	seq.s32 s5, $0x0;
	s5 =	sld [smem:$0x3FAD]  }
0x2b: {  	s6 =	sld [smem:$0x3FAE]  }
0x2c: {  	s7 =	sld [smem:$0x3FAF]  }
0x2d: {  	s3 =	simm.s32 $0x108;
	s8 =	sld [smem:$0x3FB0]  }
0x2e: {  	s3 =	simm.s32 @!p0 $0x1082;
	s9 =	sld [smem:$0x3FB1]  }
0x2f: {  	lr =	sadd.s32 s0, s3;
	s0 =	sld [smem:$0x3FA8]  }
0x30: {  	s3 =	sld [smem:$0x3FAB]  }
0x31: {  	[smem:$0x3FB4] =	sst s10  }
0x32: {  	s10 =	sld [smem:$0x3FB2];
	_ =	sdelay $0x3  }
0x33: {  	p0 =	seq.s32 s10, $0x1;
	s10 =	sld [smem:$0x3FB4];
	_ =	sdelay $0x3  }
0x34: {  	[smem:$0x3FB4] =	sst s10  }
0x35: {  	s10 =	sld [smem:$0x3FB3];
	_ =	sdelay $0x3  }
0x36: {  	p1 =	seq.s32 s10, $0x1;
	s10 =	sld [smem:$0x3FB4];
	_ =	sdelay $0x3  }
0x37: {  	[smem:$0x3FB4] =	sst s10  }
0x38: {  	s10 =	sld [smem:$0x3FB5]  }
0x39: {  	_ = 	snop;
	(pc) =	sbr.ind lr, $3  }
0x3a: {  	_ = 	snop  }
0x3b: {  	_ = 	snop  }
0x3c: {  	p2 =	seq.s32 s10, $0x1;
	s10 =	sld [smem:$0x3FB4]  }
0x3d: {  	_ =	shalt  }
0x3e: {  	_ =	shalt  }
0x3f: {  	_ =	shalt  }
0x40: {  	_ =	shalt  }
0x41: {  	_ =	shalt  }
0x42: {  	_ =	shalt  }
0x43: {  	_ =	shalt  }
0x44: {  	_ =	shalt  }
0x45: {  	_ =	shalt  }
0x46: {  	_ =	shalt  }
0x47: {  	_ =	shalt  }
0x48: {  	_ =	shalt  }
0x49: {  	_ =	shalt  }
0x4a: {  	_ =	shalt  }
0x4b: {  	_ =	shalt  }
0x4c: {  	_ =	shalt  }
0x4d: {  	_ =	shalt  }
0x4e: {  	_ =	shalt  }
0x4f: {  	_ =	shalt  }
0x50: {  	_ =	shalt  }
0x51: {  	_ =	shalt  }
0x52: {  	_ =	shalt  }
0x53: {  	_ =	shalt  }
0x54: {  	_ =	shalt  }
0x55: {  	_ =	shalt  }
0x56: {  	_ =	shalt  }
0x57: {  	_ =	shalt  }
0x58: {  	_ =	shalt  }
0x59: {  	_ =	shalt  }
0x5a: {  	_ =	shalt  }
0x5b: {  	_ =	shalt  }
0x5c: {  	_ =	shalt  }
0x5d: {  	_ =	shalt  }
0x5e: {  	_ =	shalt  }
0x5f: {  	_ =	shalt  }
0x60: {  	_ =	shalt  }
0x61: {  	_ =	shalt  }
0x62: {  	_ =	shalt  }
0x63: {  	_ =	shalt  }
0x64: {  	_ =	shalt  }
0x65: {  	_ =	shalt  }
0x66: {  	_ =	shalt  }
0x67: {  	_ =	shalt  }
0x68: {  	_ =	shalt  }
0x69: {  	_ =	shalt  }
0x6a: {  	_ =	shalt  }
0x6b: {  	_ =	shalt  }
0x6c: {  	_ =	shalt  }
0x6d: {  	_ =	shalt  }
0x6e: {  	_ =	shalt  }
0x6f: {  	_ =	shalt  }
0x70: {  	_ =	shalt  }
0x71: {  	_ =	shalt  }
0x72: {  	_ =	shalt  }
0x73: {  	_ =	shalt  }
0x74: {  	_ =	shalt  }
0x75: {  	_ =	shalt  }
0x76: {  	_ =	shalt  }
0x77: {  	_ =	shalt  }
0x78: {  	_ =	shalt  }
0x79: {  	_ =	shalt  }
0x7a: {  	_ =	shalt  }
0x7b: {  	_ =	shalt  }
0x7c: {  	_ =	shalt  }
0x7d: {  	_ =	shalt  }
0x7e: {  	_ =	shalt  }
0x7f: {  	_ =	shalt  }
0x80: {  	_ =	shalt  }
0x81: {  	_ =	shalt  }
0x82: {  	_ =	shalt  }
0x83: {  	_ =	shalt  }
0x84: {  	_ =	shalt  }
0x85: {  	_ =	shalt  }
0x86: {  	_ =	shalt  }
0x87: {  	_ =	shalt  }
.Lfunc_end0:
.L_simem_size_0:
called_computation.2_lowered:
.L_overlay_start_0:
0x88: {  	s2 =	sld [smem:$0x3FD9]  }
0x89: {  	s3 =	sld [smem:$0x3FFE];
	_ =	sdelay $0x1  }
0x8a: {  	s1 =	srdreg.scid  }
0x8b: {  	s0 =	sand.u32 $0x1, s1  }
0x8c: {  	s17 =	sshll.u32 s0, $0xA;
	s2 =	sadd.s32 s3, s2  }
0x8d: {  	s2 =	sadd.s32 s2, s17  }
0x8e: {  	[smem:$0x3FC0] =	sst s2  }
0x8f: {  	_ = 	snop  }
0x90: {  	s2 =	sld [smem:$0x3FD0];
	(tm) =	ssettm $0x1  }
0x91: {  	s18 =	sld [smem:$0x3FFB];
	_ =	sdelay $0x3  }
0x92: {  	_ =	strace s18  }
0x93: {  	s3 =	sld [smem:$0x3FFC];
	_ =	sdelay $0x3  }
0x94: {  	_ =	strace s3  }
0x95: {  	s3 =	sld [smem:$0x3FFD];
	_ =	sdelay $0x3  }
0x96: {  	_ =	strace s3  }
0x97: {  	_ =	strace $0x8FFFFFFF  }
0x98: {  	s19 =	sld [smem:$0x3FDB];
	_ =	sdelay $0x1  }
0x99: {  	s4 =	simm.s32 $_scs_section_size  }
0x9a: {  	s5 =	simm.s32 $_size__tile_overlayer_lowered;
	s6 =	simm.s32 $_tile_overlayer_lowered  }
0x9b: {  	s22 =	simm.s32 $0x1BFF;
	s21 =	sshll.u32 s6, $0x1;
	s3 =	sadd.s32 s4, s19  }
0x9c: {  	s7 =	simm.s32 $0x0;
	s20 =	sshll.u32 s5, $0x1;
	s5 =	sadd.s32 s21, s3  }
0x9d: {  	[timem:s7], [sflag:s22] =	dma.local [hbm:s5], s20  }
0x9e: {  	_ =	swait.ge [sflag:s22], s20  }
0x9f: {  	s4 =	ssub.s32 $0x0, s20;
	[sflag:s22] =	ssyncset.done $0x0  }
0xa0: {  	[sflag:s22] =	ssyncadd.s32 s4;
	_ =	sdelay $0x1  }
0xa1: {  	s23 =	simm.s32 $0x1B8B  }
0xa2: {  	_ =	swait.ge [sflag:s23], $0x1  }
0xa3: {  	[sflag:s23] =	ssyncset.done $0x0  }
0xa4: {  	s25 =	simm.s32 $0x1B8E;
	s24 =	sld [smem:$0x3FFE];
	[sflag:s23] =	ssyncadd.s32 $0xFFFFFFFF  }
0xa5: {  	s26 =	simm.s32 $execute0_lowered;
	[smem:$0x3FD2] =	sst s25  }
0xa6: {  	s5 =	sshll.u32 s26, $0x1;
	_ =	strace $0x8000004C;
	[dreg:$0x1] =	wrdreg $0xFFFFFFFF  }
0xa7: {  	s28 =	simm.s32 $_size_execute0_lowered;
	s3 =	sadd.s32 s3, s5;
	[dreg:$0x0] =	wrdreg $0x0  }
0xa8: {  	s5 =	sshll.u32 s28, $0x1;
	[dreg:$0x2] =	wrdreg s3  }
0xa9: {  	[dreg:$0x3] =	wrdreg s5  }
0xaa: {  	[dreg:$0x4] =	wrdreg $0xC0  }
0xab: {  	_ =	task [dreg:s7], $0x5FFFF  }
0xac: {  	[dreg:$0x1] =	wrdreg $0xFFFFFFFF  }
0xad: {  	[dreg:$0x0] =	wrdreg $0x60  }
0xae: {  	[dreg:$0x2] =	wrdreg s24  }
0xaf: {  	[dreg:$0x3] =	wrdreg s2  }
0xb0: {  	[dreg:$0x4] =	wrdreg $0x90000  }
0xb1: {  	[dreg:$0x5] =	wrdreg $0x9  }
0xb2: {  	_ =	task.clear_ibuf [dreg:s7], $0x6FFFF;
	_ =	strace $0x9000004C  }
0xb3: {  	s29 =	simm.s32 $0x9;
	_ =	strace $0x8000004E  }
0xb4: {  	_ =	swait.ge [sflag:s29], $0x1  }
0xb5: {  	[sflag:s29] =	ssyncadd.s32 $0xFFFFFFFF  }
0xb6: {  	_ =	strace $0x9000004E  }
0xb7: {  	_ =	sfence  }
0xb8: {  	s30 =	sld [smem:$0x0];
	_ =	sdelay $0x2  }
0xb9: {  	s31 =	sshll.u32 s1, $0xD;
	s1 =	sshrl.u32 s1, $0x2  }
0xba: {  	s3 =	sand.u32 $0x4000, s31;
	s1 =	sadd.s32 s1, s30  }
0xbb: {  	s0 =	sor.u32 s3, s0;
	s1 =	sshll.u32 s1, $0x11  }
0xbc: {  	s0 =	sor.u32 s1, s0  }
0xbd: {  	s0 =	sadd.s32 $0x8F2B, s0  }
0xbe: {  	[sflag:s0] =	ssyncadd.remote.s32 $0x1  }
0xbf: {  	_ =	sfence.sel $0xFFFF  }
0xc0: {  	[dreg:$0x0] =	wrdreg $0xFFFFFFFF;
	(pc) =	sbr.abs _section_cstart, $3  }
0xc1: {  	[dreg:$0x1] =	wrdreg $0xFFFFFFFF  }
0xc2: {  	_ =	task.clear_ibuf [dreg:s7], $0x2FFFF;
	_ =	strace $0x9FFFFFFF  }
0xc3: {  	(tm) =	ssettm $0x7FFFFFFF  }
tec
execute0_lowered:
.L_overlay_start_1:
0x0: {  	(tag) =	ssettag $0x1  }
0x1: {  	s5 =	rddreg [dreg:$0x0]  }
0x2: {  	s6 =	rddreg [dreg:$0x1]  }
0x3: {  	s0 =	srdreg.scid;
	s2 =	rddreg [dreg:$0x2]  }
0x4: {  	s3 =	simm.s32 $0x0;
	s16 =	simm.s32 $0x2800;
	s17 =	simm.s32 $0x5000  }
0x5: {  	s18 =	simm.s32 $0x80;
	s19 =	simm.s32 $0x1;
	s7 =	sand.u32 $0x1, s0  }
0x6: {  	s22 =	simm.s32 $0x0;
	s0 =	stileid.u32;
	s9 =	smul.u32 $0x140000, s7  }
0x7: {  	[smem:$0x7FF] =	sst s3;
	s4 =	sadd.s32 $0xCE00, s5;
	s10 =	smul.u32 $0x14000, s0  }
0x8: {  	s1 =	sshll.u32 s7, $0x4;
	s29 =	ssub.s32 $0x2, s7;
	s13 =	smul.u32 $0x50000, s0  }
0x9: {  	s30 =	smul.u32 $0x2800, s0;
	p0 =	seq.s32 s7, $0x1;
	s20 =	sshll.u32 s0, $0x6  }
0xa: {  	s1 =	sor.u32 s0, s1;
	s12 =	sshrl.u32 s29, $0x1;
	s20 =	sor.u32 $0x1C02, s20  }
0xb: {  	s8 =	smul.u32 $0x500, s1;
	s1 =	rddreg [dreg:$0x3];
	_ =	strace $0x8000004D  }
0xc: {  	s9 =	sadd.s32 s10, s9;
	s15 =	ssub.s32 s29, s12;
	s31 =	sshrl.u32 s13, $0x2  }
0xd: {  	s9 =	sshrl.u32 s9, $0x3;
	s7 =	sadd.s32 s31, s2;
	s11 =	sadd.s32 s8, s5  }
0xe: {  	s14 =	sadd.s32 s9, s5;
	s6 =	sadd.s32 s6, s8;
	s8 =	sadd.s32 s4, s30  }
0xf: {  	s9 =	sadd.s32 $0x4000, s7;
	s10 =	sadd.s32 $0x8000, s7;
	s12 =	sadd.s32 $0x10000, s7  }
0x10: {  	s21 =	sshrl.u32 s7, $0x3;
	s5 =	sadd.s32 $0x2E00, s11;
	s11 =	sadd.s32 $0xC000, s7  }
0x11: {  	v0 =	vimm.f32 $0.0e+00;
	s13 =	sadd.s32 $0x34E00, s14;
	s14 =	smax.u32 s15, $0x1;
	s15 =	simm.s32 $0x2  }
.LBB2_1:
0x12: {  	[tilespmem:s3], [sflag:$0x2] =	stream.linear.gather [hbm4b:s5+s3], $0x2780, $0x38;
	[tilespmem:$0x1D000] =	vst v63  }
0x13: {  	_ =	swait.ge [sflag:s15], $0x2780  }
0x14: {  	[sflag:s15] =	ssyncset.done $0x0  }
.Ltmp0:
0x15: {  	[sflag:s15] =	ssyncadd.s32 $0xFFFFD880;
	(pc) =	sbr.rel @!p0 .LBB2_2-.Ltmp0, $4  }
0x16: {  	[tilespmem:s16], [sflag:$0x2] =	stream.linear.gather [hbm4b:s6+s3], $0x2780, $0x38;
	[tilespmem:$0x1D000] =	vst v63  }
0x17: {  	_ =	swait.ge [sflag:s15], $0x2780  }
0x18: {  	[sflag:s15] =	ssyncset.done $0x0  }
0x19: {  	[sflag:s15] =	ssyncadd.s32 $0xFFFFD880  }
0x1a: {  	s23 =	sand.u32 $0xFE00, s3  }
0x1b: {  	s24 =	sand.u32 $0x70, s3;
	s25 =	sshrl.u32 s23, $0x2  }
0x1c: {  	s23 =	simm.s32 $0x40;
	s25 =	sor.u32 s24, s25;
	s24 =	simm.s32 $0x0  }
.LBB2_4:
0x1d: {  	p1 =	sne.s32 s23, $0xFFC0  }
0x1e: {  	[tilespmem:s25+$0x5000] =	vst v0;
	s24 =	sadd.s32 $0x10, s24;
	s25 =	smov.u32 s23;
	s23 =	sadd.s32 $0x40, s23  }
.Ltmp1:
0x1f: {  	(pc) =	sbr.rel @p1 .LBB2_4-.Ltmp1, $4  }
0x20: {  	_ = 	snop  }
0x21: {  	s25 =	sand.u32 $0xFE00, s25  }
0x22: {  	s26 =	sand.u32 $0x70, s24;
	s25 =	sshrl.u32 s25, $0x2  }
0x23: {  	s25 =	sor.u32 s26, s25  }
0x24: {  	[tilespmem:s25+$0x5000] =	vst v0  }
0x25: {  	[spmem:s7] =	stream.linear.scatter [tilespmem:s17], [sflag:$0x2], $0x4000, $0x38;
	[tilespmem:$0x1D000] =	vst v63  }
0x26: {  	_ =	swait.ge [sflag:s15], $0x4000  }
0x27: {  	[sflag:s15] =	ssyncset.done $0x0  }
0x28: {  	[sflag:s15] =	ssyncadd.s32 $0xFFFFC000  }
0x29: {  	[spmem:s9] =	stream.linear.scatter [tilespmem:s17], [sflag:$0x2], $0x4000, $0x38;
	[tilespmem:$0x1D000] =	vst v63  }
0x2a: {  	_ =	swait.ge [sflag:s15], $0x4000  }
0x2b: {  	[sflag:s15] =	ssyncset.done $0x0  }
0x2c: {  	[sflag:s15] =	ssyncadd.s32 $0xFFFFC000  }
0x2d: {  	[spmem:s10] =	stream.linear.scatter [tilespmem:s17], [sflag:$0x2], $0x4000, $0x38;
	[tilespmem:$0x1D000] =	vst v63  }
0x2e: {  	_ =	swait.ge [sflag:s15], $0x4000  }
0x2f: {  	[sflag:s15] =	ssyncset.done $0x0  }
0x30: {  	[sflag:s15] =	ssyncadd.s32 $0xFFFFC000  }
0x31: {  	[spmem:s11] =	stream.linear.scatter [tilespmem:s17], [sflag:$0x2], $0x4000, $0x38;
	[tilespmem:$0x1D000] =	vst v63  }
0x32: {  	_ =	swait.ge [sflag:s15], $0x4000  }
0x33: {  	[sflag:s15] =	ssyncset.done $0x0  }
.Ltmp2:
0x34: {  	[sflag:s15] =	ssyncadd.s32 $0xFFFFC000;
	(pc) =	sbr.rel .LBB2_6-.Ltmp2, $4  }
0x35: {  	[spmem:s12] =	stream.linear.scatter [tilespmem:s17], [sflag:$0x2], $0x4000, $0x38;
	[tilespmem:$0x1D000] =	vst v63  }
0x36: {  	_ =	swait.ge [sflag:s15], $0x4000  }
0x37: {  	[sflag:s15] =	ssyncset.done $0x0  }
0x38: {  	[sflag:s15] =	ssyncadd.s32 $0xFFFFC000  }
.LBB2_2:
0x39: {  	[spmem:s21], [sflag:s20] =	dma.local [hbm:s8], $0x2800  }
0x3a: {  	_ =	swait.ge [sflag:s15], $0x2800  }
0x3b: {  	[sflag:s15] =	ssyncset.done $0x0  }
0x3c: {  	[sflag:s15] =	ssyncadd.s32 $0xFFFFD800  }
.LBB2_6:
0x3d: {  	[bflag:$0x0] =	sbarrier.arrive $0xFFFF;
	s23 =	simm.s32 $0x0  }
0x3e: {  	[tilespmem:s17], [sflag:$0x1] =	stream.indirect.gather [hbm4b:s4+s18], $0x80, s23, s18, $0xb8;
	[tilespmem:$0x1D000] =	vst v63  }
0x3f: {  	_ =	swait.ge [sflag:s19], $0x4000  }
0x40: {  	[sflag:s19] =	ssyncset.done $0x0  }
0x41: {  	s31 =	simm.s32 $0x2800;
	[sflag:s19] =	ssyncadd.s32 $0xFFFFC000  }
0x42: {  	[spmem:s2] =	stream.indirect.scatter.add.f32 [tilespmem:s17], [sflag:$0x2], $0x80, s31, s18, $0xb8;
	[tilespmem:$0x1D000] =	vst v63  }
0x43: {  	_ =	swait.ge [sflag:s15], $0x4000  }
0x44: {  	s24 =	simm.s32 $0x400;
	s23 =	simm.s32 $0x200;
	[sflag:s15] =	ssyncset.done $0x0  }
.LBB2_7:
0x45: {  	s25 =	sshra.s32 s23, $0x2  }
0x46: {  	[sflag:s15] =	ssyncadd.s32 $0xFFFFC000;
	s23 =	smov.u32 s24;
	s26 =	sadd.s32 $0x200, s24  }
0x47: {  	[tilespmem:s17], [sflag:$0x1] =	stream.indirect.gather [hbm4b:s4+s18], $0x80, s25, s18, $0xb8;
	[tilespmem:$0x1D000] =	vst v63  }
0x48: {  	p1 =	sne.s32 s24, $0x9C00;
	_ =	swait.ge [sflag:s19], $0x4000  }
.Ltmp3:
0x49: {  	[sflag:s19] =	ssyncset.done $0x0;
	(pc) =	sbr.rel @p1 .LBB2_7-.Ltmp3, $4  }
0x4a: {  	s24 =	sadd.s32 $0x2800, s25;
	[sflag:s19] =	ssyncadd.s32 $0xFFFFC000  }
0x4b: {  	[spmem:s2] =	stream.indirect.scatter.add.f32 [tilespmem:s17], [sflag:$0x2], $0x80, s24, s18, $0xb8;
	[tilespmem:$0x1D000] =	vst v63  }
0x4c: {  	_ =	swait.ge [sflag:s15], $0x4000  }
0x4d: {  	s24 =	smov.u32 s26;
	[sflag:s15] =	ssyncset.done $0x0  }
0x4e: {  	s23 =	sshra.s32 s23, $0x2;
	[sflag:s15] =	ssyncadd.s32 $0xFFFFC000  }
0x4f: {  	[tilespmem:s17], [sflag:$0x1] =	stream.indirect.gather [hbm4b:s4+s18], $0x80, s23, s18, $0xb8;
	[tilespmem:$0x1D000] =	vst v63  }
0x50: {  	_ =	swait.ge [sflag:s19], $0x4000  }
0x51: {  	[sflag:s19] =	ssyncset.done $0x0  }
0x52: {  	s23 =	sadd.s32 $0x2800, s23;
	[sflag:s19] =	ssyncadd.s32 $0xFFFFC000  }
0x53: {  	[spmem:s2] =	stream.indirect.scatter.add.f32 [tilespmem:s17], [sflag:$0x2], $0x80, s23, s18, $0xb8;
	[tilespmem:$0x1D000] =	vst v63  }
0x54: {  	_ =	swait.ge [sflag:s15], $0x4000  }
0x55: {  	s22 =	sadd.s32 $0x1, s22;
	[sflag:s15] =	ssyncset.done $0x0  }
0x56: {  	p1 =	sne.s32 s22, s14;
	[sflag:s15] =	ssyncadd.s32 $0xFFFFC000  }
.Ltmp4:
0x57: {  	[bflag:$0x0] =	sbarrier.arrive $0xFFFF;
	(pc) =	sbr.rel @p1 .LBB2_1-.Ltmp4, $4  }
0x58: {  	[hbm:s13], [sflag:s20] =	dma.local [spmem:s21], $0x2800  }
0x59: {  	_ =	swait.ge [sflag:s15], $0x2800  }
0x5a: {  	[sflag:s15] =	ssyncset.done $0x0  }
0x5b: {  	[sflag:s15] =	ssyncadd.s32 $0xFFFFD800  }
0x5c: {  	_ =	sfence.sel $0x180000  }
0x5d: {  	[bflag:$0x0] =	sbarrier.arrive $0xFFFF  }
0x5e: {  	p0 =	sne.s32 s0, $0x0;
	_ =	strace $0x9000004D  }
0x5f: {  	s0 =	sadd.s32 @!p0 $0x100000, s1;
	[bflag:$0x2] =	sbarrier.arrive $0xFFFF  }
0x60: {  	[sflag:s0] =	ssyncadd.tile.s32 @!p0 $0x1;
	_ =	shalt  }
.Lfunc_end2:
_tile_overlayer_lowered:
.L_overlay_start_2:
0x61: {  	(tag) =	ssettag $0x2  }
0x62: {  	s0 =	rddreg [dreg:$0x0];
	s2 =	stileid.u32  }
0x63: {  	s1 =	rddreg [dreg:$0x1];
	p0 =	sne.s32 s2, $0x0  }
0x64: {  	s3 =	rddreg [dreg:$0x2];
	[bflag:$0x3] =	sbarrier.arrive $0xFFFF;
	s2 =	simm.s32 @!p0 $0x1C02  }
0x65: {  	[timem:s3], [sflag:s2] =	dma.local @!p0 [hbm:s0], s1  }
0x66: {  	s0 =	simm.s32 @!p0 $0x2  }
0x67: {  	_ =	swait.ge @!p0 [sflag:s0], s1  }
0x68: {  	s1 =	ssub.s32 @!p0 $0x0, s1;
	[sflag:s0] =	ssyncset.done @!p0 $0x0  }
0x69: {  	[sflag:s0] =	ssyncadd.s32 @!p0 s1  }
0x6a: {  	[bflag:$0x3] =	sbarrier.arrive $0xFFFF  }
0x6b: {  	_ =	shalt  }

// kernel: kernel.8.cloned.1.call-start
scs
__scs_entry_jumppad:
0x0: {  	(pc) =	sbr.rel $0x88, $3  }
0x1: {  	(tag) =	ssettag $0x0;
	lr =	simm.s32 $0x1  }
0x2: {  	[smem:$0x3F99] =	sst lr;
	_ =	strace $0xD0000000  }
0x3: {  	_ = 	snop  }
0x4: {  	_ = 	snop  }
0x5: {  	_ = 	snop  }
0x6: {  	_ = 	snop  }
0x7: {  	_ = 	snop  }
__scs_overlays_trampoline_lowered:
0x8: {  	[smem:$0x3FA8] =	sst s0  }
0x9: {  	[smem:$0x3FA9] =	sst s1  }
0xa: {  	[smem:$0x3FAA] =	sst s2  }
0xb: {  	[smem:$0x3FAB] =	sst s3  }
0xc: {  	[smem:$0x3FAC] =	sst s4  }
0xd: {  	[smem:$0x3FAD] =	sst s5  }
0xe: {  	[smem:$0x3FAE] =	sst s6  }
0xf: {  	[smem:$0x3FAF] =	sst s7  }
0x10: {  	[smem:$0x3FB0] =	sst s8  }
0x11: {  	[smem:$0x3FB1] =	sst s9;
	s0 =	simm.s32 @!p0 $0x0  }
0x12: {  	s1 =	sld [smem:$0x3F97];
	s0 =	simm.s32 @p0 $0x1  }
0x13: {  	[smem:$0x3FB2] =	sst s0;
	s0 =	simm.s32 @!p1 $0x0  }
0x14: {  	s2 =	sld [smem:$0x3F96];
	s0 =	simm.s32 @p1 $0x1  }
0x15: {  	[smem:$0x3FB3] =	sst s0;
	s0 =	simm.s32 @!p2 $0x0  }
0x16: {  	s3 =	sld [smem:$0x3FDB];
	s0 =	simm.s32 @p2 $0x1  }
0x17: {  	s4 =	simm.s32 $0x1BF5;
	[smem:$0x3FB5] =	sst s0  }
0x18: {  	s0 =	sld [smem:$0x3F98];
	_ =	swait.ge [sflag:s4], $0x0  }
0x19: {  	s7 =	sld [smem:$0x3F99]  }
0x1a: {  	s8 =	sadd.s32 $0xFFFFE003, lr  }
0x1b: {  	s9 =	sadd.s32 $0xFFFFFEF7, lr;
	s5 =	simm.s32 $0xFFFFFFFF;
	p2 =	slt.u32 s8, $0xFFFFF086  }
0x1c: {  	p1 =	slt.u32 s9, $0xF7A;
	s5 =	simm.s32 @!p2 $0x0  }
0x1d: {  	s5 =	simm.s32 @p1 $0x1;
	p0 =	seq.s32 s7, s2  }
0x1e: {  	s7 =	smul.u32 @!p0 $0xF7A, s2;
	p2 =	seq.s32 @!p0 s5, $0x0  }
0x1f: {  	s9 =	smul.u32 $0xF7A, s1;
	s8 =	simm.s32 @!p0 $0x1BF5;
	p2 =	por !p2, p0  }
0x20: {  	[sflag:s8] =	ssyncset.s32 @!p0 $0xFFFFF086;
	s6 =	sadd.s32 @!p0 s3, s7;
	s7 =	simm.s32 @!p0 $0x108  }
0x21: {  	s3 =	sadd.s32 s3, s9;
	s6 =	sadd.s32 @!p0 $0x88, s6;
	s7 =	simm.s32 @p2 $0x1082  }
0x22: {  	[simem:s7], [sflag:s8] =	dma.local @!p0 [hbm:s6], $0xF7A  }
0x23: {  	s9 =	sor.u32 $0xD0000000, s2;
	s6 =	simm.s32 $0x108;
	_ =	swait.ge @!p0 [sflag:s8], $0x0  }
0x24: {  	s3 =	sadd.s32 $0x88, s3;
	s6 =	simm.s32 @!p1 $0x1082;
	[sflag:s4] =	ssyncset.s32 $0xFFFFF086  }
0x25: {  	[simem:s6], [sflag:s4] =	dma.local [hbm:s3], $0xF7A  }
0x26: {  	[smem:$0x3F99] =	sst s1;
	(tag) =	ssettag s2;
	_ =	strace s9  }
0x27: {  	s1 =	sld [smem:$0x3FA9]  }
0x28: {  	s2 =	sld [smem:$0x3FAA]  }
0x29: {  	s4 =	sld [smem:$0x3FAC]  }
0x2a: {  	p0 =	seq.s32 s5, $0x0;
	s5 =	sld [smem:$0x3FAD]  }
0x2b: {  	s6 =	sld [smem:$0x3FAE]  }
0x2c: {  	s7 =	sld [smem:$0x3FAF]  }
0x2d: {  	s3 =	simm.s32 $0x108;
	s8 =	sld [smem:$0x3FB0]  }
0x2e: {  	s3 =	simm.s32 @!p0 $0x1082;
	s9 =	sld [smem:$0x3FB1]  }
0x2f: {  	lr =	sadd.s32 s0, s3;
	s0 =	sld [smem:$0x3FA8]  }
0x30: {  	s3 =	sld [smem:$0x3FAB]  }
0x31: {  	[smem:$0x3FB4] =	sst s10  }
0x32: {  	s10 =	sld [smem:$0x3FB2];
	_ =	sdelay $0x3  }
0x33: {  	p0 =	seq.s32 s10, $0x1;
	s10 =	sld [smem:$0x3FB4];
	_ =	sdelay $0x3  }
0x34: {  	[smem:$0x3FB4] =	sst s10  }
0x35: {  	s10 =	sld [smem:$0x3FB3];
	_ =	sdelay $0x3  }
0x36: {  	p1 =	seq.s32 s10, $0x1;
	s10 =	sld [smem:$0x3FB4];
	_ =	sdelay $0x3  }
0x37: {  	[smem:$0x3FB4] =	sst s10  }
0x38: {  	s10 =	sld [smem:$0x3FB5]  }
0x39: {  	_ = 	snop;
	(pc) =	sbr.ind lr, $3  }
0x3a: {  	_ = 	snop  }
0x3b: {  	_ = 	snop  }
0x3c: {  	p2 =	seq.s32 s10, $0x1;
	s10 =	sld [smem:$0x3FB4]  }
0x3d: {  	_ =	shalt  }
0x3e: {  	_ =	shalt  }
0x3f: {  	_ =	shalt  }
0x40: {  	_ =	shalt  }
0x41: {  	_ =	shalt  }
0x42: {  	_ =	shalt  }
0x43: {  	_ =	shalt  }
0x44: {  	_ =	shalt  }
0x45: {  	_ =	shalt  }
0x46: {  	_ =	shalt  }
0x47: {  	_ =	shalt  }
0x48: {  	_ =	shalt  }
0x49: {  	_ =	shalt  }
0x4a: {  	_ =	shalt  }
0x4b: {  	_ =	shalt  }
0x4c: {  	_ =	shalt  }
0x4d: {  	_ =	shalt  }
0x4e: {  	_ =	shalt  }
0x4f: {  	_ =	shalt  }
0x50: {  	_ =	shalt  }
0x51: {  	_ =	shalt  }
0x52: {  	_ =	shalt  }
0x53: {  	_ =	shalt  }
0x54: {  	_ =	shalt  }
0x55: {  	_ =	shalt  }
0x56: {  	_ =	shalt  }
0x57: {  	_ =	shalt  }
0x58: {  	_ =	shalt  }
0x59: {  	_ =	shalt  }
0x5a: {  	_ =	shalt  }
0x5b: {  	_ =	shalt  }
0x5c: {  	_ =	shalt  }
0x5d: {  	_ =	shalt  }
0x5e: {  	_ =	shalt  }
0x5f: {  	_ =	shalt  }
0x60: {  	_ =	shalt  }
0x61: {  	_ =	shalt  }
0x62: {  	_ =	shalt  }
0x63: {  	_ =	shalt  }
0x64: {  	_ =	shalt  }
0x65: {  	_ =	shalt  }
0x66: {  	_ =	shalt  }
0x67: {  	_ =	shalt  }
0x68: {  	_ =	shalt  }
0x69: {  	_ =	shalt  }
0x6a: {  	_ =	shalt  }
0x6b: {  	_ =	shalt  }
0x6c: {  	_ =	shalt  }
0x6d: {  	_ =	shalt  }
0x6e: {  	_ =	shalt  }
0x6f: {  	_ =	shalt  }
0x70: {  	_ =	shalt  }
0x71: {  	_ =	shalt  }
0x72: {  	_ =	shalt  }
0x73: {  	_ =	shalt  }
0x74: {  	_ =	shalt  }
0x75: {  	_ =	shalt  }
0x76: {  	_ =	shalt  }
0x77: {  	_ =	shalt  }
0x78: {  	_ =	shalt  }
0x79: {  	_ =	shalt  }
0x7a: {  	_ =	shalt  }
0x7b: {  	_ =	shalt  }
0x7c: {  	_ =	shalt  }
0x7d: {  	_ =	shalt  }
0x7e: {  	_ =	shalt  }
0x7f: {  	_ =	shalt  }
0x80: {  	_ =	shalt  }
0x81: {  	_ =	shalt  }
0x82: {  	_ =	shalt  }
0x83: {  	_ =	shalt  }
0x84: {  	_ =	shalt  }
0x85: {  	_ =	shalt  }
0x86: {  	_ =	shalt  }
0x87: {  	_ =	shalt  }
.Lfunc_end0:
.L_simem_size_0:
called_computation_lowered:
.L_overlay_start_0:
0x88: {  	s2 =	sld [smem:$0x3FD9]  }
0x89: {  	s3 =	sld [smem:$0x3FFE];
	_ =	sdelay $0x1  }
0x8a: {  	s1 =	srdreg.scid  }
0x8b: {  	s0 =	sand.u32 $0x1, s1  }
0x8c: {  	s17 =	sshll.u32 s0, $0xA;
	s2 =	sadd.s32 s3, s2  }
0x8d: {  	s2 =	sadd.s32 s2, s17  }
0x8e: {  	[smem:$0x3FC0] =	sst s2  }
0x8f: {  	_ = 	snop  }
0x90: {  	s2 =	sld [smem:$0x3FD0];
	(tm) =	ssettm $0x1  }
0x91: {  	s18 =	sld [smem:$0x3FFB];
	_ =	sdelay $0x3  }
0x92: {  	_ =	strace s18  }
0x93: {  	s3 =	sld [smem:$0x3FFC];
	_ =	sdelay $0x3  }
0x94: {  	_ =	strace s3  }
0x95: {  	s3 =	sld [smem:$0x3FFD];
	_ =	sdelay $0x3  }
0x96: {  	_ =	strace s3  }
0x97: {  	_ =	strace $0x8FFFFFFF  }
0x98: {  	s19 =	sld [smem:$0x3FDB];
	_ =	sdelay $0x1  }
0x99: {  	s4 =	simm.s32 $_scs_section_size  }
0x9a: {  	s5 =	simm.s32 $_size__tile_overlayer_lowered;
	s6 =	simm.s32 $_tile_overlayer_lowered  }
0x9b: {  	s22 =	simm.s32 $0x1BFF;
	s21 =	sshll.u32 s6, $0x1;
	s3 =	sadd.s32 s4, s19  }
0x9c: {  	s7 =	simm.s32 $0x0;
	s20 =	sshll.u32 s5, $0x1;
	s5 =	sadd.s32 s21, s3  }
0x9d: {  	[timem:s7], [sflag:s22] =	dma.local [hbm:s5], s20  }
0x9e: {  	_ =	swait.ge [sflag:s22], s20  }
0x9f: {  	s4 =	ssub.s32 $0x0, s20;
	[sflag:s22] =	ssyncset.done $0x0  }
0xa0: {  	[sflag:s22] =	ssyncadd.s32 s4;
	_ =	sdelay $0x1  }
0xa1: {  	s23 =	simm.s32 $0x1B8B  }
0xa2: {  	_ =	swait.ge [sflag:s23], $0x1  }
0xa3: {  	[sflag:s23] =	ssyncset.done $0x0  }
0xa4: {  	s25 =	simm.s32 $0x1B8E;
	s24 =	sld [smem:$0x3FFE];
	[sflag:s23] =	ssyncadd.s32 $0xFFFFFFFF  }
0xa5: {  	s26 =	simm.s32 $execute0_lowered;
	[smem:$0x3FD2] =	sst s25  }
0xa6: {  	s5 =	sshll.u32 s26, $0x1;
	_ =	strace $0x80000046;
	[dreg:$0x1] =	wrdreg $0xFFFFFFFF  }
0xa7: {  	s28 =	simm.s32 $_size_execute0_lowered;
	s3 =	sadd.s32 s3, s5;
	[dreg:$0x0] =	wrdreg $0x0  }
0xa8: {  	s5 =	sshll.u32 s28, $0x1;
	[dreg:$0x2] =	wrdreg s3  }
0xa9: {  	[dreg:$0x3] =	wrdreg s5  }
0xaa: {  	[dreg:$0x4] =	wrdreg $0xC0  }
0xab: {  	_ =	task [dreg:s7], $0x5FFFF  }
0xac: {  	[dreg:$0x1] =	wrdreg $0xFFFFFFFF  }
0xad: {  	[dreg:$0x0] =	wrdreg $0x60  }
0xae: {  	[dreg:$0x2] =	wrdreg s2  }
0xaf: {  	[dreg:$0x3] =	wrdreg s24  }
0xb0: {  	[dreg:$0x4] =	wrdreg $0x2B000  }
0xb1: {  	[dreg:$0x5] =	wrdreg $0x9  }
0xb2: {  	_ =	task.clear_ibuf [dreg:s7], $0x6FFFF;
	_ =	strace $0x90000046  }
0xb3: {  	s29 =	simm.s32 $0x9;
	_ =	strace $0x80000048  }
0xb4: {  	_ =	swait.ge [sflag:s29], $0x1  }
0xb5: {  	[sflag:s29] =	ssyncadd.s32 $0xFFFFFFFF  }
0xb6: {  	_ =	strace $0x90000048  }
0xb7: {  	_ =	sfence  }
0xb8: {  	s30 =	sld [smem:$0x0];
	_ =	sdelay $0x2  }
0xb9: {  	s31 =	sshll.u32 s1, $0xD;
	s1 =	sshrl.u32 s1, $0x2  }
0xba: {  	s3 =	sand.u32 $0x4000, s31;
	s1 =	sadd.s32 s1, s30  }
0xbb: {  	s0 =	sor.u32 s3, s0;
	s1 =	sshll.u32 s1, $0x11  }
0xbc: {  	s0 =	sor.u32 s1, s0  }
0xbd: {  	s0 =	sadd.s32 $0x8F2B, s0  }
0xbe: {  	[sflag:s0] =	ssyncadd.remote.s32 $0x1  }
0xbf: {  	_ =	sfence.sel $0xFFFF  }
0xc0: {  	[dreg:$0x0] =	wrdreg $0xFFFFFFFF;
	(pc) =	sbr.abs _section_cstart, $3  }
0xc1: {  	[dreg:$0x1] =	wrdreg $0xFFFFFFFF  }
0xc2: {  	_ =	task.clear_ibuf [dreg:s7], $0x2FFFF;
	_ =	strace $0x9FFFFFFF  }
0xc3: {  	(tm) =	ssettm $0x7FFFFFFF  }
tec
execute0_lowered:
.L_overlay_start_1:
0x0: {  	(tag) =	ssettag $0x1  }
0x1: {  	s5 =	rddreg [dreg:$0x0]  }
0x2: {  	s4 =	rddreg [dreg:$0x1];
	s1 =	srdreg.scid  }
0x3: {  	s0 =	stileid.u32;
	s2 =	rddreg [dreg:$0x2];
	s3 =	simm.s32 $0x0  }
0x4: {  	s11 =	simm.s32 $0x2800;
	s6 =	sand.u32 $0x1, s1;
	s1 =	rddreg [dreg:$0x3]  }
0x5: {  	s14 =	simm.s32 $0x0;
	s7 =	smul.u32 $0x280, s0;
	[smem:$0x7FF] =	sst s3  }
0x6: {  	s12 =	sshll.u32 s0, $0x6;
	s8 =	smul.u32 $0x2800, s6;
	s9 =	sshll.u32 s6, $0x4  }
0x7: {  	s6 =	ssub.s32 $0x2, s6;
	_ =	strace $0x80000047;
	s9 =	sor.u32 s0, s9  }
0x8: {  	s10 =	sshrl.u32 s6, $0x1;
	s8 =	sadd.s32 s7, s8;
	s9 =	smul.u32 $0x500, s9  }
0x9: {  	s12 =	sor.u32 $0x1C01, s12;
	s10 =	ssub.s32 s6, s10;
	s8 =	sshrl.u32 s8, $0x3  }
0xa: {  	s8 =	sadd.s32 s8, s4;
	s4 =	sadd.s32 s7, s2;
	s5 =	sadd.s32 s5, s9  }
0xb: {  	s7 =	smax.u32 s10, $0x1;
	s9 =	simm.s32 $0x1;
	s10 =	simm.s32 $0x80  }
0xc: {  	v0 =	vimm.f32 $0.0e+00;
	v1 =	vimm.f32 $1.000000000e+00;
	s6 =	sadd.s32 $0x2400, s8;
	s8 =	simm.s32 $0x2880;
	s13 =	sshrl.u32 s4, $0x3  }
.LBB2_1:
0xd: {  	[tilespmem:$0x2880] =	vst v0  }
0xe: {  	[tilespmem:$0x2890] =	vst v0  }
0xf: {  	[tilespmem:$0x28A0] =	vst v0  }
0x10: {  	[tilespmem:$0x28B0] =	vst v0  }
0x11: {  	[tilespmem:$0x28C0] =	vst v0  }
0x12: {  	[tilespmem:$0x28D0] =	vst v0  }
0x13: {  	[tilespmem:$0x28E0] =	vst v0  }
0x14: {  	[tilespmem:$0x28F0] =	vst v0  }
0x15: {  	[tilespmem:$0x2900] =	vst v0  }
0x16: {  	[tilespmem:$0x2910] =	vst v0  }
0x17: {  	[tilespmem:$0x2920] =	vst v0  }
0x18: {  	[tilespmem:$0x2930] =	vst v0  }
0x19: {  	[tilespmem:$0x2940] =	vst v0  }
0x1a: {  	[tilespmem:$0x2950] =	vst v0  }
0x1b: {  	[tilespmem:$0x2960] =	vst v0  }
0x1c: {  	[tilespmem:$0x2970] =	vst v0  }
0x1d: {  	[tilespmem:$0x2980] =	vst v0  }
0x1e: {  	[tilespmem:$0x2990] =	vst v0  }
0x1f: {  	[tilespmem:$0x29A0] =	vst v0  }
0x20: {  	[tilespmem:$0x29B0] =	vst v0  }
0x21: {  	[tilespmem:$0x29C0] =	vst v0  }
0x22: {  	[tilespmem:$0x29D0] =	vst v0  }
0x23: {  	[tilespmem:$0x29E0] =	vst v0  }
0x24: {  	[tilespmem:$0x29F0] =	vst v0  }
0x25: {  	[tilespmem:$0x2A00] =	vst v0  }
0x26: {  	[tilespmem:$0x2A10] =	vst v0  }
0x27: {  	[tilespmem:$0x2A20] =	vst v0  }
0x28: {  	[tilespmem:$0x2A30] =	vst v0  }
0x29: {  	[tilespmem:$0x2A40] =	vst v0  }
0x2a: {  	[tilespmem:$0x2A50] =	vst v0  }
0x2b: {  	[tilespmem:$0x2A60] =	vst v0  }
0x2c: {  	[tilespmem:$0x2A70] =	vst v0  }
0x2d: {  	[tilespmem:$0x2A80] =	vst v0  }
0x2e: {  	[tilespmem:$0x2A90] =	vst v0  }
0x2f: {  	[tilespmem:$0x2AA0] =	vst v0  }
0x30: {  	[tilespmem:$0x2AB0] =	vst v0  }
0x31: {  	[tilespmem:$0x2AC0] =	vst v0  }
0x32: {  	[tilespmem:$0x2AD0] =	vst v0  }
0x33: {  	[tilespmem:$0x2AE0] =	vst v0  }
0x34: {  	[tilespmem:$0x2AF0] =	vst v0  }
0x35: {  	[tilespmem:$0x2800] =	vst v1  }
0x36: {  	[tilespmem:$0x2810] =	vst v1  }
0x37: {  	[tilespmem:$0x2820] =	vst v1  }
0x38: {  	[tilespmem:$0x2830] =	vst v1  }
0x39: {  	[tilespmem:$0x2840] =	vst v1  }
0x3a: {  	[tilespmem:$0x2850] =	vst v1  }
0x3b: {  	[tilespmem:$0x2860] =	vst v1  }
0x3c: {  	[tilespmem:$0x2870] =	vst v1  }
0x3d: {  	[spmem:s4] =	stream.linear.scatter [tilespmem:s8], [sflag:$0x1], $0x280, $0x38;
	[tilespmem:$0x2D80] =	vst v63  }
0x3e: {  	_ =	swait.ge [sflag:s9], $0x280  }
0x3f: {  	[sflag:s9] =	ssyncset.done $0x0  }
0x40: {  	[sflag:s9] =	ssyncadd.s32 $0xFFFFFD80  }
0x41: {  	[tilespmem:s3], [sflag:$0x1] =	stream.linear.gather [hbm4b:s5+s3], $0x2780, $0x38;
	[tilespmem:$0x2D80] =	vst v63  }
0x42: {  	_ =	swait.ge [sflag:s9], $0x2780  }
0x43: {  	[sflag:s9] =	ssyncset.done $0x0  }
0x44: {  	[sflag:s9] =	ssyncadd.s32 $0xFFFFD880  }
0x45: {  	s15 =	simm.s32 $0x0;
	[bflag:$0x0] =	sbarrier.arrive $0xFFFF  }
0x46: {  	[spmem:s2] =	stream.indirect.scatter.add.f32 [tilespmem:s11], [sflag:$0x1], $0x1, s15, s10, $0xb8;
	[tilespmem:$0x2D80] =	vst v63  }
0x47: {  	_ =	swait.ge [sflag:s9], $0x80  }
0x48: {  	s15 =	simm.s32 $0x200;
	[sflag:s9] =	ssyncset.done $0x0  }
.LBB2_2:
0x49: {  	s16 =	sshra.s32 s15, $0x2;
	[sflag:s9] =	ssyncadd.s32 $0xFFFFFF80;
	p0 =	sne.s32 s15, $0x9C00  }
0x4a: {  	[spmem:s2] =	stream.indirect.scatter.add.f32 [tilespmem:s11], [sflag:$0x1], $0x1, s16, s10, $0xb8;
	[tilespmem:$0x2D80] =	vst v63  }
.Ltmp0:
0x4b: {  	_ = 	snop;
	(pc) =	sbr.rel @p0 .LBB2_2-.Ltmp0, $4  }
0x4c: {  	_ = 	snop  }
0x4d: {  	s15 =	sadd.s32 $0x200, s15  }
0x4e: {  	_ =	swait.ge [sflag:s9], $0x80  }
0x4f: {  	[sflag:s9] =	ssyncset.done $0x0  }
0x50: {  	s14 =	sadd.s32 $0x1, s14  }
0x51: {  	[sflag:s9] =	ssyncadd.s32 $0xFFFFFF80;
	p0 =	sne.s32 s14, s7  }
.Ltmp1:
0x52: {  	[bflag:$0x0] =	sbarrier.arrive $0xFFFF;
	(pc) =	sbr.rel @p0 .LBB2_1-.Ltmp1, $4  }
0x53: {  	[hbm:s6], [sflag:s12] =	dma.local [spmem:s13], $0x50  }
0x54: {  	_ =	swait.ge [sflag:s9], $0x50  }
0x55: {  	[sflag:s9] =	ssyncset.done $0x0  }
0x56: {  	[sflag:s9] =	ssyncadd.s32 $0xFFFFFFB0  }
0x57: {  	_ =	sfence.sel $0x180000  }
0x58: {  	[bflag:$0x0] =	sbarrier.arrive $0xFFFF  }
0x59: {  	p0 =	sne.s32 s0, $0x0;
	_ =	strace $0x90000047  }
0x5a: {  	s0 =	sadd.s32 @!p0 $0x100000, s1;
	[bflag:$0x2] =	sbarrier.arrive $0xFFFF  }
0x5b: {  	[sflag:s0] =	ssyncadd.tile.s32 @!p0 $0x1;
	_ =	shalt  }
.Lfunc_end2:
_tile_overlayer_lowered:
.L_overlay_start_2:
0x5c: {  	(tag) =	ssettag $0x2  }
0x5d: {  	s0 =	rddreg [dreg:$0x0];
	s2 =	stileid.u32  }
0x5e: {  	s1 =	rddreg [dreg:$0x1];
	p0 =	sne.s32 s2, $0x0  }
0x5f: {  	s3 =	rddreg [dreg:$0x2];
	[bflag:$0x3] =	sbarrier.arrive $0xFFFF;
	s2 =	simm.s32 @!p0 $0x1C01  }
0x60: {  	[timem:s3], [sflag:s2] =	dma.local @!p0 [hbm:s0], s1  }
0x61: {  	s0 =	simm.s32 @!p0 $0x1  }
0x62: {  	_ =	swait.ge @!p0 [sflag:s0], s1  }
0x63: {  	s1 =	ssub.s32 @!p0 $0x0, s1;
	[sflag:s0] =	ssyncset.done @!p0 $0x0  }
0x64: {  	[sflag:s0] =	ssyncadd.s32 @!p0 s1  }
0x65: {  	[bflag:$0x3] =	sbarrier.arrive $0xFFFF  }
0x66: {  	_ =	shalt  }

</sc_bundles>
